<compile_context>
chip_gen: v7x
topology: tpu7x:2x2x1
jax: 0.10.2.dev20260603
libtpu: 0.0.44.dev20260713+nightly
codegen_flags: <defaults>
</compile_context>

<pallas_src>
import functools
import jax
import jax.numpy as jnp
from jax import lax
from jax.experimental import pallas as pl
from jax.experimental.pallas import tpu as pltpu
from jax.experimental.pallas import tpu_sc as plsc

B = 16384
V = 11
D = 64
W = 2 * D
NC, NS = 2, 16
NW = NC * NS
BPW = B // NW
CHUNK = 128
NCH = BPW // CHUNK
TROWS = V * V


def _table_body(e1_ref, e2_ref, out_ref):
    for a in range(V):
        out_ref[pl.ds(a * V, V), pl.ds(0, D)] = jnp.broadcast_to(
            e1_ref[pl.ds(a, 1), :], (V, D))
        out_ref[pl.ds(a * V, V), pl.ds(D, D)] = e2_ref[...]


def _build_table(emb1, emb2):
    return pl.pallas_call(
        _table_body,
        out_shape=jax.ShapeDtypeStruct((TROWS, W), jnp.float32),
    )(emb1, emb2)


@functools.cache
def _make_sc_gather():
    @functools.partial(
        pl.kernel,
        mesh=plsc.VectorSubcoreMesh(core_axis_name="c", subcore_axis_name="s"),
        out_type=jax.ShapeDtypeStruct((NW * NCH, CHUNK, W), jnp.float32),
        scratch_types=[
            pltpu.VMEM_SHARED((TROWS, W), jnp.float32),
            pltpu.VMEM((NCH, CHUNK), jnp.int32),
            pltpu.VMEM((NCH, CHUNK), jnp.int32),
            pltpu.VMEM((NCH, CHUNK), jnp.int32),
            pltpu.VMEM((NCH, CHUNK, W), jnp.float32),
            pltpu.SemaphoreType.DMA,
            pltpu.SemaphoreType.DMA,
        ] + [pltpu.SemaphoreType.DMA] * NCH,
    )
    def _sc_gather(y_hbm, s_hbm, tab_hbm, out_hbm,
                   tab_sh, y_v, s_v, idx_v, rows_v, sem_in, sem_o, *gsems):
        sid = lax.axis_index("s")
        wid = sid * NC + lax.axis_index("c")
        base = wid * NCH
        loads = [
            pltpu.async_copy(y_hbm.at[pl.ds(base, NCH)], y_v, sem_in),
            pltpu.async_copy(s_hbm.at[pl.ds(base, NCH)], s_v, sem_in),
        ]

        @pl.when(sid == 0)
        def _stage():
            pltpu.sync_copy(tab_hbm, tab_sh)

        for cp in loads:
            cp.wait()
        for c in range(NCH):
            for m in range(CHUNK // 16):
                sl = pl.ds(m * 16, 16)
                idx_v[c, sl] = y_v[c, sl] * V + s_v[c, sl]
        plsc.subcore_barrier()
        gathers = [
            pltpu.async_copy(tab_sh.at[idx_v.at[c]], rows_v.at[c], gsems[c])
            for c in range(NCH)
        ]
        outs = []
        for c in range(NCH):
            gathers[c].wait()
            outs.append(
                pltpu.async_copy(rows_v.at[c], out_hbm.at[base + c], sem_o))
        for cp in outs:
            cp.wait()

    return _sc_gather


def kernel(y, s, emb1, emb2):
    table = _build_table(emb1, emb2)
    y2 = y.astype(jnp.int32).reshape(NW * NCH, CHUNK)
    s2 = s.astype(jnp.int32).reshape(NW * NCH, CHUNK)
    out = _make_sc_gather()(y2, s2, table)
    return out.reshape(B, W)

# --- scband reference (transcript-rebuilt; emitter-appended) ---
"""Pipeline reference for scband-multi-label-encoder-987842478218 (READ-ONLY COPY).

The authoritative reference and input builder live on the scoring server;
editing this copy changes nothing except your own understanding.
"""

import jax, jax.numpy as jnp
import numpy as np


def setup_inputs(seed: int = 0) -> dict:
    key = jax.random.key(seed)
    k1, k2, k3, k4 = jax.random.split(key, 4)
    y = jax.random.randint(k1, (16384,), 0, 11, dtype=jnp.int64) if jax.config.jax_enable_x64 else jax.random.randint(k1, (16384,), 0, 11, dtype=jnp.int32)
    s = jax.random.randint(k2, (16384,), 0, 11, dtype=jnp.int64) if jax.config.jax_enable_x64 else jax.random.randint(k2, (16384,), 0, 11, dtype=jnp.int32)
    emb1 = jax.random.normal(k3, (11, 64), dtype=jnp.float32)
    emb2 = jax.random.normal(k4, (11, 64), dtype=jnp.float32)
    return {"y": y, "s": s, "emb1": emb1, "emb2": emb2}


def reference(y, s, emb1, emb2):
    y1 = jnp.take(emb1, y, axis=0)
    y2 = jnp.take(emb2, s, axis=0)
    return jnp.concatenate([y1, y2], axis=1)

if __name__ == "__main__":
    import jax
    _d = setup_inputs()
    print(jax.jit(kernel)(*tuple(_d.values())))

</pallas_src>

<mosaic_0001>
#map = affine_map<(d0, d1) -> (0, 0)>
#map1 = affine_map<(d0, d1) -> (0, 0, 0)>
module attributes {stable_mosaic.version = 14 : i64} {
  func.func @_sc_gather(%arg0: i32, %arg1: i32, %arg2: memref<128x128xi32, #tpu.memory_space<hbm>>, %arg3: memref<128x128xi32, #tpu.memory_space<hbm>>, %arg4: memref<121x128xf32, #tpu.memory_space<hbm>>, %arg5: memref<128x128x128xf32, #tpu.memory_space<hbm>>, %arg6: memref<121x128xf32, #tpu.memory_space<vmem_shared>>, %arg7: memref<4x128xi32, #tpu.memory_space<vmem>>, %arg8: memref<4x128xi32, #tpu.memory_space<vmem>>, %arg9: memref<4x128xi32, #tpu.memory_space<vmem>>, %arg10: memref<4x128x128xf32, #tpu.memory_space<vmem>>, %arg11: memref<!tpu.dma_semaphore, #tpu.memory_space<semaphore_mem>>, %arg12: memref<!tpu.dma_semaphore, #tpu.memory_space<semaphore_mem>>, %arg13: memref<!tpu.dma_semaphore, #tpu.memory_space<semaphore_mem>>, %arg14: memref<!tpu.dma_semaphore, #tpu.memory_space<semaphore_mem>>, %arg15: memref<!tpu.dma_semaphore, #tpu.memory_space<semaphore_mem>>, %arg16: memref<!tpu.dma_semaphore, #tpu.memory_space<semaphore_mem>>) attributes {dimension_semantics = [#tpu.dimension_semantics<core_parallel>, #tpu.dimension_semantics<subcore_parallel>], iteration_bounds = array<i64: 2, 16>, scalar_prefetch = 0 : i64, scratch_operands = 11 : i64, tpu.core_type = #tpu.core_type<sc_vector_subcore>, window_params = [{transform_indices = #map}, {transform_indices = #map}, {transform_indices = #map}, {transform_indices = #map1}]} {
    %mul3A = arith.constant 2 : i32
    %mul3A_0 = arith.muli %arg1, %mul3A : i32
    %add3A = arith.addi %mul3A_0, %arg0 : i32
    %mul3A_1 = arith.constant 4 : i32
    %mul3A_2 = arith.muli %add3A, %mul3A_1 : i32
    %dma_start3A = arith.constant 0 : i32
    %dma_start3A_3 = tpu.memref_slice %arg2[%mul3A_2, %dma_start3A] : memref<128x128xi32, #tpu.memory_space<hbm>> -> memref<4x128xi32, #tpu.memory_space<hbm>>
    %dma_start3A_4 = arith.constant 0 : i32
    %dma_start3A_5 = tpu.memref_slice %arg2[%mul3A_2, %dma_start3A_4] : memref<128x128xi32, #tpu.memory_space<hbm>> -> memref<4x128xi32, #tpu.memory_space<hbm>>
    tpu.enqueue_dma source(%dma_start3A_5 : memref<4x128xi32, #tpu.memory_space<hbm>>) target(%arg7 : memref<4x128xi32, #tpu.memory_space<vmem>>) target_semaphore(%arg11 : memref<!tpu.dma_semaphore, #tpu.memory_space<semaphore_mem>>)
    %dma_start3A_6 = arith.constant 0 : i32
    %dma_start3A_7 = tpu.memref_slice %arg3[%mul3A_2, %dma_start3A_6] : memref<128x128xi32, #tpu.memory_space<hbm>> -> memref<4x128xi32, #tpu.memory_space<hbm>>
    %dma_start3A_8 = arith.constant 0 : i32
    %dma_start3A_9 = tpu.memref_slice %arg3[%mul3A_2, %dma_start3A_8] : memref<128x128xi32, #tpu.memory_space<hbm>> -> memref<4x128xi32, #tpu.memory_space<hbm>>
    tpu.enqueue_dma source(%dma_start3A_9 : memref<4x128xi32, #tpu.memory_space<hbm>>) target(%arg8 : memref<4x128xi32, #tpu.memory_space<vmem>>) target_semaphore(%arg11 : memref<!tpu.dma_semaphore, #tpu.memory_space<semaphore_mem>>)
    %eq3A = arith.constant 0 : i32
    %eq3A_10 = arith.cmpi eq, %arg1, %eq3A : i32
    %convert_element_type3A = arith.extui %eq3A_10 : i1 to i32
    %cond3A = arith.constant 0 : i32
    %cond3A_11 = arith.cmpi ne, %convert_element_type3A, %cond3A : i32
    scf.if %cond3A_11 {
      "tpu.region"() ({
        %run_scoped3A = tpu.sem_alloc : memref<!tpu.dma_semaphore, #tpu.memory_space<semaphore_mem>>
        tpu.enqueue_dma source(%arg4 : memref<121x128xf32, #tpu.memory_space<hbm>>) target(%arg6 : memref<121x128xf32, #tpu.memory_space<vmem_shared>>) target_semaphore(%run_scoped3A : memref<!tpu.dma_semaphore, #tpu.memory_space<semaphore_mem>>)
        tpu.wait_dma2 semaphore(%run_scoped3A : memref<!tpu.dma_semaphore, #tpu.memory_space<semaphore_mem>>) src(%arg4 : memref<121x128xf32, #tpu.memory_space<hbm>>) dst(%arg6 : memref<121x128xf32, #tpu.memory_space<vmem_shared>>)
        tpu.yield
      }) : () -> ()
    } else {
    }
    %dma_wait3A = arith.constant 0 : i32
    %dma_wait3A_12 = tpu.memref_slice %arg2[%mul3A_2, %dma_wait3A] : memref<128x128xi32, #tpu.memory_space<hbm>> -> memref<4x128xi32, #tpu.memory_space<hbm>>
    %dma_wait3A_13 = arith.constant 0 : i32
    %dma_wait3A_14 = tpu.memref_slice %arg2[%mul3A_2, %dma_wait3A_13] : memref<128x128xi32, #tpu.memory_space<hbm>> -> memref<4x128xi32, #tpu.memory_space<hbm>>
    tpu.wait_dma2 semaphore(%arg11 : memref<!tpu.dma_semaphore, #tpu.memory_space<semaphore_mem>>) src(%dma_wait3A_14 : memref<4x128xi32, #tpu.memory_space<hbm>>) dst(%arg7 : memref<4x128xi32, #tpu.memory_space<vmem>>)
    %dma_wait3A_15 = arith.constant 0 : i32
    %dma_wait3A_16 = tpu.memref_slice %arg3[%mul3A_2, %dma_wait3A_15] : memref<128x128xi32, #tpu.memory_space<hbm>> -> memref<4x128xi32, #tpu.memory_space<hbm>>
    %dma_wait3A_17 = arith.constant 0 : i32
    %dma_wait3A_18 = tpu.memref_slice %arg3[%mul3A_2, %dma_wait3A_17] : memref<128x128xi32, #tpu.memory_space<hbm>> -> memref<4x128xi32, #tpu.memory_space<hbm>>
    tpu.wait_dma2 semaphore(%arg11 : memref<!tpu.dma_semaphore, #tpu.memory_space<semaphore_mem>>) src(%dma_wait3A_18 : memref<4x128xi32, #tpu.memory_space<hbm>>) dst(%arg8 : memref<4x128xi32, #tpu.memory_space<vmem>>)
    %get3A = arith.constant 0 : i32
    %get3A_19 = arith.index_cast %get3A : i32 to index
    %get3A_20 = arith.constant 0 : index
    %get3A_21 = tpu.vector_load %arg7[%get3A_19, %get3A_20] {strides = array<i32>} : memref<4x128xi32, #tpu.memory_space<vmem>>, vector<1x16xi32>,
    %get3A_22 = vector.shape_cast %get3A_21 : vector<1x16xi32> to vector<16xi32>
    %mul3A_23 = arith.constant 11 : i32
    %mul3A_24 = vector.broadcast %mul3A_23 : i32 to vector<16xi32>
    %mul3A_25 = arith.muli %get3A_22, %mul3A_24 : vector<16xi32>
    %get3A_26 = arith.constant 0 : i32
    %get3A_27 = arith.index_cast %get3A_26 : i32 to index
    %get3A_28 = arith.constant 0 : index
    %get3A_29 = tpu.vector_load %arg8[%get3A_27, %get3A_28] {strides = array<i32>} : memref<4x128xi32, #tpu.memory_space<vmem>>, vector<1x16xi32>,
    %get3A_30 = vector.shape_cast %get3A_29 : vector<1x16xi32> to vector<16xi32>
    %add3A_31 = arith.addi %mul3A_25, %get3A_30 : vector<16xi32>
    %swap3A = arith.constant 0 : i32
    %swap3A_32 = arith.index_cast %swap3A : i32 to index
    %swap3A_33 = arith.constant 0 : index
    %swap3A_34 = tpu.vector_load %arg9[%swap3A_32, %swap3A_33] {strides = array<i32>} : memref<4x128xi32, #tpu.memory_space<vmem>>, vector<1x16xi32>,
    %swap3A_35 = vector.shape_cast %swap3A_34 : vector<1x16xi32> to vector<16xi32>
    %swap3A_36 = vector.shape_cast %add3A_31 : vector<16xi32> to vector<1x16xi32>
    tpu.vector_store %arg9[%swap3A_32, %swap3A_33], %swap3A_36 {strides = array<i32>} : memref<4x128xi32, #tpu.memory_space<vmem>>, vector<1x16xi32>,
    %get3A_37 = arith.constant 0 : i32
    %get3A_38 = arith.index_cast %get3A_37 : i32 to index
    %get3A_39 = arith.constant 16 : index
    %get3A_40 = tpu.vector_load %arg7[%get3A_38, %get3A_39] {strides = array<i32>} : memref<4x128xi32, #tpu.memory_space<vmem>>, vector<1x16xi32>,
    %get3A_41 = vector.shape_cast %get3A_40 : vector<1x16xi32> to vector<16xi32>
    %mul3A_42 = arith.constant 11 : i32
    %mul3A_43 = vector.broadcast %mul3A_42 : i32 to vector<16xi32>
    %mul3A_44 = arith.muli %get3A_41, %mul3A_43 : vector<16xi32>
    %get3A_45 = arith.constant 0 : i32
    %get3A_46 = arith.index_cast %get3A_45 : i32 to index
    %get3A_47 = arith.constant 16 : index
    %get3A_48 = tpu.vector_load %arg8[%get3A_46, %get3A_47] {strides = array<i32>} : memref<4x128xi32, #tpu.memory_space<vmem>>, vector<1x16xi32>,
    %get3A_49 = vector.shape_cast %get3A_48 : vector<1x16xi32> to vector<16xi32>
    %add3A_50 = arith.addi %mul3A_44, %get3A_49 : vector<16xi32>
    %swap3A_51 = arith.constant 0 : i32
    %swap3A_52 = arith.index_cast %swap3A_51 : i32 to index
    %swap3A_53 = arith.constant 16 : index
    %swap3A_54 = tpu.vector_load %arg9[%swap3A_52, %swap3A_53] {strides = array<i32>} : memref<4x128xi32, #tpu.memory_space<vmem>>, vector<1x16xi32>,
    %swap3A_55 = vector.shape_cast %swap3A_54 : vector<1x16xi32> to vector<16xi32>
    %swap3A_56 = vector.shape_cast %add3A_50 : vector<16xi32> to vector<1x16xi32>
    tpu.vector_store %arg9[%swap3A_52, %swap3A_53], %swap3A_56 {strides = array<i32>} : memref<4x128xi32, #tpu.memory_space<vmem>>, vector<1x16xi32>,
    %get3A_57 = arith.constant 0 : i32
    %get3A_58 = arith.index_cast %get3A_57 : i32 to index
    %get3A_59 = arith.constant 32 : index
    %get3A_60 = tpu.vector_load %arg7[%get3A_58, %get3A_59] {strides = array<i32>} : memref<4x128xi32, #tpu.memory_space<vmem>>, vector<1x16xi32>,
    %get3A_61 = vector.shape_cast %get3A_60 : vector<1x16xi32> to vector<16xi32>
    %mul3A_62 = arith.constant 11 : i32
    %mul3A_63 = vector.broadcast %mul3A_62 : i32 to vector<16xi32>
    %mul3A_64 = arith.muli %get3A_61, %mul3A_63 : vector<16xi32>
    %get3A_65 = arith.constant 0 : i32
    %get3A_66 = arith.index_cast %get3A_65 : i32 to index
    %get3A_67 = arith.constant 32 : index
    %get3A_68 = tpu.vector_load %arg8[%get3A_66, %get3A_67] {strides = array<i32>} : memref<4x128xi32, #tpu.memory_space<vmem>>, vector<1x16xi32>,
    %get3A_69 = vector.shape_cast %get3A_68 : vector<1x16xi32> to vector<16xi32>
    %add3A_70 = arith.addi %mul3A_64, %get3A_69 : vector<16xi32>
    %swap3A_71 = arith.constant 0 : i32
    %swap3A_72 = arith.index_cast %swap3A_71 : i32 to index
    %swap3A_73 = arith.constant 32 : index
    %swap3A_74 = tpu.vector_load %arg9[%swap3A_72, %swap3A_73] {strides = array<i32>} : memref<4x128xi32, #tpu.memory_space<vmem>>, vector<1x16xi32>,
    %swap3A_75 = vector.shape_cast %swap3A_74 : vector<1x16xi32> to vector<16xi32>
    %swap3A_76 = vector.shape_cast %add3A_70 : vector<16xi32> to vector<1x16xi32>
    tpu.vector_store %arg9[%swap3A_72, %swap3A_73], %swap3A_76 {strides = array<i32>} : memref<4x128xi32, #tpu.memory_space<vmem>>, vector<1x16xi32>,
    %get3A_77 = arith.constant 0 : i32
    %get3A_78 = arith.index_cast %get3A_77 : i32 to index
    %get3A_79 = arith.constant 48 : index
    %get3A_80 = tpu.vector_load %arg7[%get3A_78, %get3A_79] {strides = array<i32>} : memref<4x128xi32, #tpu.memory_space<vmem>>, vector<1x16xi32>,
    %get3A_81 = vector.shape_cast %get3A_80 : vector<1x16xi32> to vector<16xi32>
    %mul3A_82 = arith.constant 11 : i32
    %mul3A_83 = vector.broadcast %mul3A_82 : i32 to vector<16xi32>
    %mul3A_84 = arith.muli %get3A_81, %mul3A_83 : vector<16xi32>
    %get3A_85 = arith.constant 0 : i32
    %get3A_86 = arith.index_cast %get3A_85 : i32 to index
    %get3A_87 = arith.constant 48 : index
    %get3A_88 = tpu.vector_load %arg8[%get3A_86, %get3A_87] {strides = array<i32>} : memref<4x128xi32, #tpu.memory_space<vmem>>, vector<1x16xi32>,
    %get3A_89 = vector.shape_cast %get3A_88 : vector<1x16xi32> to vector<16xi32>
    %add3A_90 = arith.addi %mul3A_84, %get3A_89 : vector<16xi32>
    %swap3A_91 = arith.constant 0 : i32
    %swap3A_92 = arith.index_cast %swap3A_91 : i32 to index
    %swap3A_93 = arith.constant 48 : index
    %swap3A_94 = tpu.vector_load %arg9[%swap3A_92, %swap3A_93] {strides = array<i32>} : memref<4x128xi32, #tpu.memory_space<vmem>>, vector<1x16xi32>,
    %swap3A_95 = vector.shape_cast %swap3A_94 : vector<1x16xi32> to vector<16xi32>
    %swap3A_96 = vector.shape_cast %add3A_90 : vector<16xi32> to vector<1x16xi32>
    tpu.vector_store %arg9[%swap3A_92, %swap3A_93], %swap3A_96 {strides = array<i32>} : memref<4x128xi32, #tpu.memory_space<vmem>>, vector<1x16xi32>,
    %get3A_97 = arith.constant 0 : i32
    %get3A_98 = arith.index_cast %get3A_97 : i32 to index
    %get3A_99 = arith.constant 64 : index
    %get3A_100 = tpu.vector_load %arg7[%get3A_98, %get3A_99] {strides = array<i32>} : memref<4x128xi32, #tpu.memory_space<vmem>>, vector<1x16xi32>,
    %get3A_101 = vector.shape_cast %get3A_100 : vector<1x16xi32> to vector<16xi32>
    %mul3A_102 = arith.constant 11 : i32
    %mul3A_103 = vector.broadcast %mul3A_102 : i32 to vector<16xi32>
    %mul3A_104 = arith.muli %get3A_101, %mul3A_103 : vector<16xi32>
    %get3A_105 = arith.constant 0 : i32
    %get3A_106 = arith.index_cast %get3A_105 : i32 to index
    %get3A_107 = arith.constant 64 : index
    %get3A_108 = tpu.vector_load %arg8[%get3A_106, %get3A_107] {strides = array<i32>} : memref<4x128xi32, #tpu.memory_space<vmem>>, vector<1x16xi32>,
    %get3A_109 = vector.shape_cast %get3A_108 : vector<1x16xi32> to vector<16xi32>
    %add3A_110 = arith.addi %mul3A_104, %get3A_109 : vector<16xi32>
    %swap3A_111 = arith.constant 0 : i32
    %swap3A_112 = arith.index_cast %swap3A_111 : i32 to index
    %swap3A_113 = arith.constant 64 : index
    %swap3A_114 = tpu.vector_load %arg9[%swap3A_112, %swap3A_113] {strides = array<i32>} : memref<4x128xi32, #tpu.memory_space<vmem>>, vector<1x16xi32>,
    %swap3A_115 = vector.shape_cast %swap3A_114 : vector<1x16xi32> to vector<16xi32>
    %swap3A_116 = vector.shape_cast %add3A_110 : vector<16xi32> to vector<1x16xi32>
    tpu.vector_store %arg9[%swap3A_112, %swap3A_113], %swap3A_116 {strides = array<i32>} : memref<4x128xi32, #tpu.memory_space<vmem>>, vector<1x16xi32>,
    %get3A_117 = arith.constant 0 : i32
    %get3A_118 = arith.index_cast %get3A_117 : i32 to index
    %get3A_119 = arith.constant 80 : index
    %get3A_120 = tpu.vector_load %arg7[%get3A_118, %get3A_119] {strides = array<i32>} : memref<4x128xi32, #tpu.memory_space<vmem>>, vector<1x16xi32>,
    %get3A_121 = vector.shape_cast %get3A_120 : vector<1x16xi32> to vector<16xi32>
    %mul3A_122 = arith.constant 11 : i32
    %mul3A_123 = vector.broadcast %mul3A_122 : i32 to vector<16xi32>
    %mul3A_124 = arith.muli %get3A_121, %mul3A_123 : vector<16xi32>
    %get3A_125 = arith.constant 0 : i32
    %get3A_126 = arith.index_cast %get3A_125 : i32 to index
    %get3A_127 = arith.constant 80 : index
    %get3A_128 = tpu.vector_load %arg8[%get3A_126, %get3A_127] {strides = array<i32>} : memref<4x128xi32, #tpu.memory_space<vmem>>, vector<1x16xi32>,
    %get3A_129 = vector.shape_cast %get3A_128 : vector<1x16xi32> to vector<16xi32>
    %add3A_130 = arith.addi %mul3A_124, %get3A_129 : vector<16xi32>
    %swap3A_131 = arith.constant 0 : i32
    %swap3A_132 = arith.index_cast %swap3A_131 : i32 to index
    %swap3A_133 = arith.constant 80 : index
    %swap3A_134 = tpu.vector_load %arg9[%swap3A_132, %swap3A_133] {strides = array<i32>} : memref<4x128xi32, #tpu.memory_space<vmem>>, vector<1x16xi32>,
    %swap3A_135 = vector.shape_cast %swap3A_134 : vector<1x16xi32> to vector<16xi32>
    %swap3A_136 = vector.shape_cast %add3A_130 : vector<16xi32> to vector<1x16xi32>
    tpu.vector_store %arg9[%swap3A_132, %swap3A_133], %swap3A_136 {strides = array<i32>} : memref<4x128xi32, #tpu.memory_space<vmem>>, vector<1x16xi32>,
    %get3A_137 = arith.constant 0 : i32
    %get3A_138 = arith.index_cast %get3A_137 : i32 to index
    %get3A_139 = arith.constant 96 : index
    %get3A_140 = tpu.vector_load %arg7[%get3A_138, %get3A_139] {strides = array<i32>} : memref<4x128xi32, #tpu.memory_space<vmem>>, vector<1x16xi32>,
    %get3A_141 = vector.shape_cast %get3A_140 : vector<1x16xi32> to vector<16xi32>
    %mul3A_142 = arith.constant 11 : i32
    %mul3A_143 = vector.broadcast %mul3A_142 : i32 to vector<16xi32>
    %mul3A_144 = arith.muli %get3A_141, %mul3A_143 : vector<16xi32>
    %get3A_145 = arith.constant 0 : i32
    %get3A_146 = arith.index_cast %get3A_145 : i32 to index
    %get3A_147 = arith.constant 96 : index
    %get3A_148 = tpu.vector_load %arg8[%get3A_146, %get3A_147] {strides = array<i32>} : memref<4x128xi32, #tpu.memory_space<vmem>>, vector<1x16xi32>,
    %get3A_149 = vector.shape_cast %get3A_148 : vector<1x16xi32> to vector<16xi32>
    %add3A_150 = arith.addi %mul3A_144, %get3A_149 : vector<16xi32>
    %swap3A_151 = arith.constant 0 : i32
    %swap3A_152 = arith.index_cast %swap3A_151 : i32 to index
    %swap3A_153 = arith.constant 96 : index
    %swap3A_154 = tpu.vector_load %arg9[%swap3A_152, %swap3A_153] {strides = array<i32>} : memref<4x128xi32, #tpu.memory_space<vmem>>, vector<1x16xi32>,
    %swap3A_155 = vector.shape_cast %swap3A_154 : vector<1x16xi32> to vector<16xi32>
    %swap3A_156 = vector.shape_cast %add3A_150 : vector<16xi32> to vector<1x16xi32>
    tpu.vector_store %arg9[%swap3A_152, %swap3A_153], %swap3A_156 {strides = array<i32>} : memref<4x128xi32, #tpu.memory_space<vmem>>, vector<1x16xi32>,
    %get3A_157 = arith.constant 0 : i32
    %get3A_158 = arith.index_cast %get3A_157 : i32 to index
    %get3A_159 = arith.constant 112 : index
    %get3A_160 = tpu.vector_load %arg7[%get3A_158, %get3A_159] {strides = array<i32>} : memref<4x128xi32, #tpu.memory_space<vmem>>, vector<1x16xi32>,
    %get3A_161 = vector.shape_cast %get3A_160 : vector<1x16xi32> to vector<16xi32>
    %mul3A_162 = arith.constant 11 : i32
    %mul3A_163 = vector.broadcast %mul3A_162 : i32 to vector<16xi32>
    %mul3A_164 = arith.muli %get3A_161, %mul3A_163 : vector<16xi32>
    %get3A_165 = arith.constant 0 : i32
    %get3A_166 = arith.index_cast %get3A_165 : i32 to index
    %get3A_167 = arith.constant 112 : index
    %get3A_168 = tpu.vector_load %arg8[%get3A_166, %get3A_167] {strides = array<i32>} : memref<4x128xi32, #tpu.memory_space<vmem>>, vector<1x16xi32>,
    %get3A_169 = vector.shape_cast %get3A_168 : vector<1x16xi32> to vector<16xi32>
    %add3A_170 = arith.addi %mul3A_164, %get3A_169 : vector<16xi32>
    %swap3A_171 = arith.constant 0 : i32
    %swap3A_172 = arith.index_cast %swap3A_171 : i32 to index
    %swap3A_173 = arith.constant 112 : index
    %swap3A_174 = tpu.vector_load %arg9[%swap3A_172, %swap3A_173] {strides = array<i32>} : memref<4x128xi32, #tpu.memory_space<vmem>>, vector<1x16xi32>,
    %swap3A_175 = vector.shape_cast %swap3A_174 : vector<1x16xi32> to vector<16xi32>
    %swap3A_176 = vector.shape_cast %add3A_170 : vector<16xi32> to vector<1x16xi32>
    tpu.vector_store %arg9[%swap3A_172, %swap3A_173], %swap3A_176 {strides = array<i32>} : memref<4x128xi32, #tpu.memory_space<vmem>>, vector<1x16xi32>,
    %get3A_177 = arith.constant 1 : i32
    %get3A_178 = arith.index_cast %get3A_177 : i32 to index
    %get3A_179 = arith.constant 0 : index
    %get3A_180 = tpu.vector_load %arg7[%get3A_178, %get3A_179] {strides = array<i32>} : memref<4x128xi32, #tpu.memory_space<vmem>>, vector<1x16xi32>,
    %get3A_181 = vector.shape_cast %get3A_180 : vector<1x16xi32> to vector<16xi32>
    %mul3A_182 = arith.constant 11 : i32
    %mul3A_183 = vector.broadcast %mul3A_182 : i32 to vector<16xi32>
    %mul3A_184 = arith.muli %get3A_181, %mul3A_183 : vector<16xi32>
    %get3A_185 = arith.constant 1 : i32
    %get3A_186 = arith.index_cast %get3A_185 : i32 to index
    %get3A_187 = arith.constant 0 : index
    %get3A_188 = tpu.vector_load %arg8[%get3A_186, %get3A_187] {strides = array<i32>} : memref<4x128xi32, #tpu.memory_space<vmem>>, vector<1x16xi32>,
    %get3A_189 = vector.shape_cast %get3A_188 : vector<1x16xi32> to vector<16xi32>
    %add3A_190 = arith.addi %mul3A_184, %get3A_189 : vector<16xi32>
    %swap3A_191 = arith.constant 1 : i32
    %swap3A_192 = arith.index_cast %swap3A_191 : i32 to index
    %swap3A_193 = arith.constant 0 : index
    %swap3A_194 = tpu.vector_load %arg9[%swap3A_192, %swap3A_193] {strides = array<i32>} : memref<4x128xi32, #tpu.memory_space<vmem>>, vector<1x16xi32>,
    %swap3A_195 = vector.shape_cast %swap3A_194 : vector<1x16xi32> to vector<16xi32>
    %swap3A_196 = vector.shape_cast %add3A_190 : vector<16xi32> to vector<1x16xi32>
    tpu.vector_store %arg9[%swap3A_192, %swap3A_193], %swap3A_196 {strides = array<i32>} : memref<4x128xi32, #tpu.memory_space<vmem>>, vector<1x16xi32>,
    %get3A_197 = arith.constant 1 : i32
    %get3A_198 = arith.index_cast %get3A_197 : i32 to index
    %get3A_199 = arith.constant 16 : index
    %get3A_200 = tpu.vector_load %arg7[%get3A_198, %get3A_199] {strides = array<i32>} : memref<4x128xi32, #tpu.memory_space<vmem>>, vector<1x16xi32>,
    %get3A_201 = vector.shape_cast %get3A_200 : vector<1x16xi32> to vector<16xi32>
    %mul3A_202 = arith.constant 11 : i32
    %mul3A_203 = vector.broadcast %mul3A_202 : i32 to vector<16xi32>
    %mul3A_204 = arith.muli %get3A_201, %mul3A_203 : vector<16xi32>
    %get3A_205 = arith.constant 1 : i32
    %get3A_206 = arith.index_cast %get3A_205 : i32 to index
    %get3A_207 = arith.constant 16 : index
    %get3A_208 = tpu.vector_load %arg8[%get3A_206, %get3A_207] {strides = array<i32>} : memref<4x128xi32, #tpu.memory_space<vmem>>, vector<1x16xi32>,
    %get3A_209 = vector.shape_cast %get3A_208 : vector<1x16xi32> to vector<16xi32>
    %add3A_210 = arith.addi %mul3A_204, %get3A_209 : vector<16xi32>
    %swap3A_211 = arith.constant 1 : i32
    %swap3A_212 = arith.index_cast %swap3A_211 : i32 to index
    %swap3A_213 = arith.constant 16 : index
    %swap3A_214 = tpu.vector_load %arg9[%swap3A_212, %swap3A_213] {strides = array<i32>} : memref<4x128xi32, #tpu.memory_space<vmem>>, vector<1x16xi32>,
    %swap3A_215 = vector.shape_cast %swap3A_214 : vector<1x16xi32> to vector<16xi32>
    %swap3A_216 = vector.shape_cast %add3A_210 : vector<16xi32> to vector<1x16xi32>
    tpu.vector_store %arg9[%swap3A_212, %swap3A_213], %swap3A_216 {strides = array<i32>} : memref<4x128xi32, #tpu.memory_space<vmem>>, vector<1x16xi32>,
    %get3A_217 = arith.constant 1 : i32
    %get3A_218 = arith.index_cast %get3A_217 : i32 to index
    %get3A_219 = arith.constant 32 : index
    %get3A_220 = tpu.vector_load %arg7[%get3A_218, %get3A_219] {strides = array<i32>} : memref<4x128xi32, #tpu.memory_space<vmem>>, vector<1x16xi32>,
    %get3A_221 = vector.shape_cast %get3A_220 : vector<1x16xi32> to vector<16xi32>
    %mul3A_222 = arith.constant 11 : i32
    %mul3A_223 = vector.broadcast %mul3A_222 : i32 to vector<16xi32>
    %mul3A_224 = arith.muli %get3A_221, %mul3A_223 : vector<16xi32>
    %get3A_225 = arith.constant 1 : i32
    %get3A_226 = arith.index_cast %get3A_225 : i32 to index
    %get3A_227 = arith.constant 32 : index
    %get3A_228 = tpu.vector_load %arg8[%get3A_226, %get3A_227] {strides = array<i32>} : memref<4x128xi32, #tpu.memory_space<vmem>>, vector<1x16xi32>,
    %get3A_229 = vector.shape_cast %get3A_228 : vector<1x16xi32> to vector<16xi32>
    %add3A_230 = arith.addi %mul3A_224, %get3A_229 : vector<16xi32>
    %swap3A_231 = arith.constant 1 : i32
    %swap3A_232 = arith.index_cast %swap3A_231 : i32 to index
    %swap3A_233 = arith.constant 32 : index
    %swap3A_234 = tpu.vector_load %arg9[%swap3A_232, %swap3A_233] {strides = array<i32>} : memref<4x128xi32, #tpu.memory_space<vmem>>, vector<1x16xi32>,
    %swap3A_235 = vector.shape_cast %swap3A_234 : vector<1x16xi32> to vector<16xi32>
    %swap3A_236 = vector.shape_cast %add3A_230 : vector<16xi32> to vector<1x16xi32>
    tpu.vector_store %arg9[%swap3A_232, %swap3A_233], %swap3A_236 {strides = array<i32>} : memref<4x128xi32, #tpu.memory_space<vmem>>, vector<1x16xi32>,
    %get3A_237 = arith.constant 1 : i32
    %get3A_238 = arith.index_cast %get3A_237 : i32 to index
    %get3A_239 = arith.constant 48 : index
    %get3A_240 = tpu.vector_load %arg7[%get3A_238, %get3A_239] {strides = array<i32>} : memref<4x128xi32, #tpu.memory_space<vmem>>, vector<1x16xi32>,
    %get3A_241 = vector.shape_cast %get3A_240 : vector<1x16xi32> to vector<16xi32>
    %mul3A_242 = arith.constant 11 : i32
    %mul3A_243 = vector.broadcast %mul3A_242 : i32 to vector<16xi32>
    %mul3A_244 = arith.muli %get3A_241, %mul3A_243 : vector<16xi32>
    %get3A_245 = arith.constant 1 : i32
    %get3A_246 = arith.index_cast %get3A_245 : i32 to index
    %get3A_247 = arith.constant 48 : index
    %get3A_248 = tpu.vector_load %arg8[%get3A_246, %get3A_247] {strides = array<i32>} : memref<4x128xi32, #tpu.memory_space<vmem>>, vector<1x16xi32>,
    %get3A_249 = vector.shape_cast %get3A_248 : vector<1x16xi32> to vector<16xi32>
    %add3A_250 = arith.addi %mul3A_244, %get3A_249 : vector<16xi32>
    %swap3A_251 = arith.constant 1 : i32
    %swap3A_252 = arith.index_cast %swap3A_251 : i32 to index
    %swap3A_253 = arith.constant 48 : index
    %swap3A_254 = tpu.vector_load %arg9[%swap3A_252, %swap3A_253] {strides = array<i32>} : memref<4x128xi32, #tpu.memory_space<vmem>>, vector<1x16xi32>,
    %swap3A_255 = vector.shape_cast %swap3A_254 : vector<1x16xi32> to vector<16xi32>
    %swap3A_256 = vector.shape_cast %add3A_250 : vector<16xi32> to vector<1x16xi32>
    tpu.vector_store %arg9[%swap3A_252, %swap3A_253], %swap3A_256 {strides = array<i32>} : memref<4x128xi32, #tpu.memory_space<vmem>>, vector<1x16xi32>,
    %get3A_257 = arith.constant 1 : i32
    %get3A_258 = arith.index_cast %get3A_257 : i32 to index
    %get3A_259 = arith.constant 64 : index
    %get3A_260 = tpu.vector_load %arg7[%get3A_258, %get3A_259] {strides = array<i32>} : memref<4x128xi32, #tpu.memory_space<vmem>>, vector<1x16xi32>,
    %get3A_261 = vector.shape_cast %get3A_260 : vector<1x16xi32> to vector<16xi32>
    %mul3A_262 = arith.constant 11 : i32
    %mul3A_263 = vector.broadcast %mul3A_262 : i32 to vector<16xi32>
    %mul3A_264 = arith.muli %get3A_261, %mul3A_263 : vector<16xi32>
    %get3A_265 = arith.constant 1 : i32
    %get3A_266 = arith.index_cast %get3A_265 : i32 to index
    %get3A_267 = arith.constant 64 : index
    %get3A_268 = tpu.vector_load %arg8[%get3A_266, %get3A_267] {strides = array<i32>} : memref<4x128xi32, #tpu.memory_space<vmem>>, vector<1x16xi32>,
    %get3A_269 = vector.shape_cast %get3A_268 : vector<1x16xi32> to vector<16xi32>
    %add3A_270 = arith.addi %mul3A_264, %get3A_269 : vector<16xi32>
    %swap3A_271 = arith.constant 1 : i32
    %swap3A_272 = arith.index_cast %swap3A_271 : i32 to index
    %swap3A_273 = arith.constant 64 : index
    %swap3A_274 = tpu.vector_load %arg9[%swap3A_272, %swap3A_273] {strides = array<i32>} : memref<4x128xi32, #tpu.memory_space<vmem>>, vector<1x16xi32>,
    %swap3A_275 = vector.shape_cast %swap3A_274 : vector<1x16xi32> to vector<16xi32>
    %swap3A_276 = vector.shape_cast %add3A_270 : vector<16xi32> to vector<1x16xi32>
    tpu.vector_store %arg9[%swap3A_272, %swap3A_273], %swap3A_276 {strides = array<i32>} : memref<4x128xi32, #tpu.memory_space<vmem>>, vector<1x16xi32>,
    %get3A_277 = arith.constant 1 : i32
    %get3A_278 = arith.index_cast %get3A_277 : i32 to index
    %get3A_279 = arith.constant 80 : index
    %get3A_280 = tpu.vector_load %arg7[%get3A_278, %get3A_279] {strides = array<i32>} : memref<4x128xi32, #tpu.memory_space<vmem>>, vector<1x16xi32>,
    %get3A_281 = vector.shape_cast %get3A_280 : vector<1x16xi32> to vector<16xi32>
    %mul3A_282 = arith.constant 11 : i32
    %mul3A_283 = vector.broadcast %mul3A_282 : i32 to vector<16xi32>
    %mul3A_284 = arith.muli %get3A_281, %mul3A_283 : vector<16xi32>
    %get3A_285 = arith.constant 1 : i32
    %get3A_286 = arith.index_cast %get3A_285 : i32 to index
    %get3A_287 = arith.constant 80 : index
    %get3A_288 = tpu.vector_load %arg8[%get3A_286, %get3A_287] {strides = array<i32>} : memref<4x128xi32, #tpu.memory_space<vmem>>, vector<1x16xi32>,
    %get3A_289 = vector.shape_cast %get3A_288 : vector<1x16xi32> to vector<16xi32>
    %add3A_290 = arith.addi %mul3A_284, %get3A_289 : vector<16xi32>
    %swap3A_291 = arith.constant 1 : i32
    %swap3A_292 = arith.index_cast %swap3A_291 : i32 to index
    %swap3A_293 = arith.constant 80 : index
    %swap3A_294 = tpu.vector_load %arg9[%swap3A_292, %swap3A_293] {strides = array<i32>} : memref<4x128xi32, #tpu.memory_space<vmem>>, vector<1x16xi32>,
    %swap3A_295 = vector.shape_cast %swap3A_294 : vector<1x16xi32> to vector<16xi32>
    %swap3A_296 = vector.shape_cast %add3A_290 : vector<16xi32> to vector<1x16xi32>
    tpu.vector_store %arg9[%swap3A_292, %swap3A_293], %swap3A_296 {strides = array<i32>} : memref<4x128xi32, #tpu.memory_space<vmem>>, vector<1x16xi32>,
    %get3A_297 = arith.constant 1 : i32
    %get3A_298 = arith.index_cast %get3A_297 : i32 to index
    %get3A_299 = arith.constant 96 : index
    %get3A_300 = tpu.vector_load %arg7[%get3A_298, %get3A_299] {strides = array<i32>} : memref<4x128xi32, #tpu.memory_space<vmem>>, vector<1x16xi32>,
    %get3A_301 = vector.shape_cast %get3A_300 : vector<1x16xi32> to vector<16xi32>
    %mul3A_302 = arith.constant 11 : i32
    %mul3A_303 = vector.broadcast %mul3A_302 : i32 to vector<16xi32>
    %mul3A_304 = arith.muli %get3A_301, %mul3A_303 : vector<16xi32>
    %get3A_305 = arith.constant 1 : i32
    %get3A_306 = arith.index_cast %get3A_305 : i32 to index
    %get3A_307 = arith.constant 96 : index
    %get3A_308 = tpu.vector_load %arg8[%get3A_306, %get3A_307] {strides = array<i32>} : memref<4x128xi32, #tpu.memory_space<vmem>>, vector<1x16xi32>,
    %get3A_309 = vector.shape_cast %get3A_308 : vector<1x16xi32> to vector<16xi32>
    %add3A_310 = arith.addi %mul3A_304, %get3A_309 : vector<16xi32>
    %swap3A_311 = arith.constant 1 : i32
    %swap3A_312 = arith.index_cast %swap3A_311 : i32 to index
    %swap3A_313 = arith.constant 96 : index
    %swap3A_314 = tpu.vector_load %arg9[%swap3A_312, %swap3A_313] {strides = array<i32>} : memref<4x128xi32, #tpu.memory_space<vmem>>, vector<1x16xi32>,
    %swap3A_315 = vector.shape_cast %swap3A_314 : vector<1x16xi32> to vector<16xi32>
    %swap3A_316 = vector.shape_cast %add3A_310 : vector<16xi32> to vector<1x16xi32>
    tpu.vector_store %arg9[%swap3A_312, %swap3A_313], %swap3A_316 {strides = array<i32>} : memref<4x128xi32, #tpu.memory_space<vmem>>, vector<1x16xi32>,
    %get3A_317 = arith.constant 1 : i32
    %get3A_318 = arith.index_cast %get3A_317 : i32 to index
    %get3A_319 = arith.constant 112 : index
    %get3A_320 = tpu.vector_load %arg7[%get3A_318, %get3A_319] {strides = array<i32>} : memref<4x128xi32, #tpu.memory_space<vmem>>, vector<1x16xi32>,
    %get3A_321 = vector.shape_cast %get3A_320 : vector<1x16xi32> to vector<16xi32>
    %mul3A_322 = arith.constant 11 : i32
    %mul3A_323 = vector.broadcast %mul3A_322 : i32 to vector<16xi32>
    %mul3A_324 = arith.muli %get3A_321, %mul3A_323 : vector<16xi32>
    %get3A_325 = arith.constant 1 : i32
    %get3A_326 = arith.index_cast %get3A_325 : i32 to index
    %get3A_327 = arith.constant 112 : index
    %get3A_328 = tpu.vector_load %arg8[%get3A_326, %get3A_327] {strides = array<i32>} : memref<4x128xi32, #tpu.memory_space<vmem>>, vector<1x16xi32>,
    %get3A_329 = vector.shape_cast %get3A_328 : vector<1x16xi32> to vector<16xi32>
    %add3A_330 = arith.addi %mul3A_324, %get3A_329 : vector<16xi32>
    %swap3A_331 = arith.constant 1 : i32
    %swap3A_332 = arith.index_cast %swap3A_331 : i32 to index
    %swap3A_333 = arith.constant 112 : index
    %swap3A_334 = tpu.vector_load %arg9[%swap3A_332, %swap3A_333] {strides = array<i32>} : memref<4x128xi32, #tpu.memory_space<vmem>>, vector<1x16xi32>,
    %swap3A_335 = vector.shape_cast %swap3A_334 : vector<1x16xi32> to vector<16xi32>
    %swap3A_336 = vector.shape_cast %add3A_330 : vector<16xi32> to vector<1x16xi32>
    tpu.vector_store %arg9[%swap3A_332, %swap3A_333], %swap3A_336 {strides = array<i32>} : memref<4x128xi32, #tpu.memory_space<vmem>>, vector<1x16xi32>,
    %get3A_337 = arith.constant 2 : i32
    %get3A_338 = arith.index_cast %get3A_337 : i32 to index
    %get3A_339 = arith.constant 0 : index
    %get3A_340 = tpu.vector_load %arg7[%get3A_338, %get3A_339] {strides = array<i32>} : memref<4x128xi32, #tpu.memory_space<vmem>>, vector<1x16xi32>,
    %get3A_341 = vector.shape_cast %get3A_340 : vector<1x16xi32> to vector<16xi32>
    %mul3A_342 = arith.constant 11 : i32
    %mul3A_343 = vector.broadcast %mul3A_342 : i32 to vector<16xi32>
    %mul3A_344 = arith.muli %get3A_341, %mul3A_343 : vector<16xi32>
    %get3A_345 = arith.constant 2 : i32
    %get3A_346 = arith.index_cast %get3A_345 : i32 to index
    %get3A_347 = arith.constant 0 : index
    %get3A_348 = tpu.vector_load %arg8[%get3A_346, %get3A_347] {strides = array<i32>} : memref<4x128xi32, #tpu.memory_space<vmem>>, vector<1x16xi32>,
    %get3A_349 = vector.shape_cast %get3A_348 : vector<1x16xi32> to vector<16xi32>
    %add3A_350 = arith.addi %mul3A_344, %get3A_349 : vector<16xi32>
    %swap3A_351 = arith.constant 2 : i32
    %swap3A_352 = arith.index_cast %swap3A_351 : i32 to index
    %swap3A_353 = arith.constant 0 : index
    %swap3A_354 = tpu.vector_load %arg9[%swap3A_352, %swap3A_353] {strides = array<i32>} : memref<4x128xi32, #tpu.memory_space<vmem>>, vector<1x16xi32>,
    %swap3A_355 = vector.shape_cast %swap3A_354 : vector<1x16xi32> to vector<16xi32>
    %swap3A_356 = vector.shape_cast %add3A_350 : vector<16xi32> to vector<1x16xi32>
    tpu.vector_store %arg9[%swap3A_352, %swap3A_353], %swap3A_356 {strides = array<i32>} : memref<4x128xi32, #tpu.memory_space<vmem>>, vector<1x16xi32>,
    %get3A_357 = arith.constant 2 : i32
    %get3A_358 = arith.index_cast %get3A_357 : i32 to index
    %get3A_359 = arith.constant 16 : index
    %get3A_360 = tpu.vector_load %arg7[%get3A_358, %get3A_359] {strides = array<i32>} : memref<4x128xi32, #tpu.memory_space<vmem>>, vector<1x16xi32>,
    %get3A_361 = vector.shape_cast %get3A_360 : vector<1x16xi32> to vector<16xi32>
    %mul3A_362 = arith.constant 11 : i32
    %mul3A_363 = vector.broadcast %mul3A_362 : i32 to vector<16xi32>
    %mul3A_364 = arith.muli %get3A_361, %mul3A_363 : vector<16xi32>
    %get3A_365 = arith.constant 2 : i32
    %get3A_366 = arith.index_cast %get3A_365 : i32 to index
    %get3A_367 = arith.constant 16 : index
    %get3A_368 = tpu.vector_load %arg8[%get3A_366, %get3A_367] {strides = array<i32>} : memref<4x128xi32, #tpu.memory_space<vmem>>, vector<1x16xi32>,
    %get3A_369 = vector.shape_cast %get3A_368 : vector<1x16xi32> to vector<16xi32>
    %add3A_370 = arith.addi %mul3A_364, %get3A_369 : vector<16xi32>
    %swap3A_371 = arith.constant 2 : i32
    %swap3A_372 = arith.index_cast %swap3A_371 : i32 to index
    %swap3A_373 = arith.constant 16 : index
    %swap3A_374 = tpu.vector_load %arg9[%swap3A_372, %swap3A_373] {strides = array<i32>} : memref<4x128xi32, #tpu.memory_space<vmem>>, vector<1x16xi32>,
    %swap3A_375 = vector.shape_cast %swap3A_374 : vector<1x16xi32> to vector<16xi32>
    %swap3A_376 = vector.shape_cast %add3A_370 : vector<16xi32> to vector<1x16xi32>
    tpu.vector_store %arg9[%swap3A_372, %swap3A_373], %swap3A_376 {strides = array<i32>} : memref<4x128xi32, #tpu.memory_space<vmem>>, vector<1x16xi32>,
    %get3A_377 = arith.constant 2 : i32
    %get3A_378 = arith.index_cast %get3A_377 : i32 to index
    %get3A_379 = arith.constant 32 : index
    %get3A_380 = tpu.vector_load %arg7[%get3A_378, %get3A_379] {strides = array<i32>} : memref<4x128xi32, #tpu.memory_space<vmem>>, vector<1x16xi32>,
    %get3A_381 = vector.shape_cast %get3A_380 : vector<1x16xi32> to vector<16xi32>
    %mul3A_382 = arith.constant 11 : i32
    %mul3A_383 = vector.broadcast %mul3A_382 : i32 to vector<16xi32>
    %mul3A_384 = arith.muli %get3A_381, %mul3A_383 : vector<16xi32>
    %get3A_385 = arith.constant 2 : i32
    %get3A_386 = arith.index_cast %get3A_385 : i32 to index
    %get3A_387 = arith.constant 32 : index
    %get3A_388 = tpu.vector_load %arg8[%get3A_386, %get3A_387] {strides = array<i32>} : memref<4x128xi32, #tpu.memory_space<vmem>>, vector<1x16xi32>,
    %get3A_389 = vector.shape_cast %get3A_388 : vector<1x16xi32> to vector<16xi32>
    %add3A_390 = arith.addi %mul3A_384, %get3A_389 : vector<16xi32>
    %swap3A_391 = arith.constant 2 : i32
    %swap3A_392 = arith.index_cast %swap3A_391 : i32 to index
    %swap3A_393 = arith.constant 32 : index
    %swap3A_394 = tpu.vector_load %arg9[%swap3A_392, %swap3A_393] {strides = array<i32>} : memref<4x128xi32, #tpu.memory_space<vmem>>, vector<1x16xi32>,
    %swap3A_395 = vector.shape_cast %swap3A_394 : vector<1x16xi32> to vector<16xi32>
    %swap3A_396 = vector.shape_cast %add3A_390 : vector<16xi32> to vector<1x16xi32>
    tpu.vector_store %arg9[%swap3A_392, %swap3A_393], %swap3A_396 {strides = array<i32>} : memref<4x128xi32, #tpu.memory_space<vmem>>, vector<1x16xi32>,
    %get3A_397 = arith.constant 2 : i32
    %get3A_398 = arith.index_cast %get3A_397 : i32 to index
    %get3A_399 = arith.constant 48 : index
    %get3A_400 = tpu.vector_load %arg7[%get3A_398, %get3A_399] {strides = array<i32>} : memref<4x128xi32, #tpu.memory_space<vmem>>, vector<1x16xi32>,
    %get3A_401 = vector.shape_cast %get3A_400 : vector<1x16xi32> to vector<16xi32>
    %mul3A_402 = arith.constant 11 : i32
    %mul3A_403 = vector.broadcast %mul3A_402 : i32 to vector<16xi32>
    %mul3A_404 = arith.muli %get3A_401, %mul3A_403 : vector<16xi32>
    %get3A_405 = arith.constant 2 : i32
    %get3A_406 = arith.index_cast %get3A_405 : i32 to index
    %get3A_407 = arith.constant 48 : index
    %get3A_408 = tpu.vector_load %arg8[%get3A_406, %get3A_407] {strides = array<i32>} : memref<4x128xi32, #tpu.memory_space<vmem>>, vector<1x16xi32>,
    %get3A_409 = vector.shape_cast %get3A_408 : vector<1x16xi32> to vector<16xi32>
    %add3A_410 = arith.addi %mul3A_404, %get3A_409 : vector<16xi32>
    %swap3A_411 = arith.constant 2 : i32
    %swap3A_412 = arith.index_cast %swap3A_411 : i32 to index
    %swap3A_413 = arith.constant 48 : index
    %swap3A_414 = tpu.vector_load %arg9[%swap3A_412, %swap3A_413] {strides = array<i32>} : memref<4x128xi32, #tpu.memory_space<vmem>>, vector<1x16xi32>,
    %swap3A_415 = vector.shape_cast %swap3A_414 : vector<1x16xi32> to vector<16xi32>
    %swap3A_416 = vector.shape_cast %add3A_410 : vector<16xi32> to vector<1x16xi32>
    tpu.vector_store %arg9[%swap3A_412, %swap3A_413], %swap3A_416 {strides = array<i32>} : memref<4x128xi32, #tpu.memory_space<vmem>>, vector<1x16xi32>,
    %get3A_417 = arith.constant 2 : i32
    %get3A_418 = arith.index_cast %get3A_417 : i32 to index
    %get3A_419 = arith.constant 64 : index
    %get3A_420 = tpu.vector_load %arg7[%get3A_418, %get3A_419] {strides = array<i32>} : memref<4x128xi32, #tpu.memory_space<vmem>>, vector<1x16xi32>,
    %get3A_421 = vector.shape_cast %get3A_420 : vector<1x16xi32> to vector<16xi32>
    %mul3A_422 = arith.constant 11 : i32
    %mul3A_423 = vector.broadcast %mul3A_422 : i32 to vector<16xi32>
    %mul3A_424 = arith.muli %get3A_421, %mul3A_423 : vector<16xi32>
    %get3A_425 = arith.constant 2 : i32
    %get3A_426 = arith.index_cast %get3A_425 : i32 to index
    %get3A_427 = arith.constant 64 : index
    %get3A_428 = tpu.vector_load %arg8[%get3A_426, %get3A_427] {strides = array<i32>} : memref<4x128xi32, #tpu.memory_space<vmem>>, vector<1x16xi32>,
    %get3A_429 = vector.shape_cast %get3A_428 : vector<1x16xi32> to vector<16xi32>
    %add3A_430 = arith.addi %mul3A_424, %get3A_429 : vector<16xi32>
    %swap3A_431 = arith.constant 2 : i32
    %swap3A_432 = arith.index_cast %swap3A_431 : i32 to index
    %swap3A_433 = arith.constant 64 : index
    %swap3A_434 = tpu.vector_load %arg9[%swap3A_432, %swap3A_433] {strides = array<i32>} : memref<4x128xi32, #tpu.memory_space<vmem>>, vector<1x16xi32>,
    %swap3A_435 = vector.shape_cast %swap3A_434 : vector<1x16xi32> to vector<16xi32>
    %swap3A_436 = vector.shape_cast %add3A_430 : vector<16xi32> to vector<1x16xi32>
    tpu.vector_store %arg9[%swap3A_432, %swap3A_433], %swap3A_436 {strides = array<i32>} : memref<4x128xi32, #tpu.memory_space<vmem>>, vector<1x16xi32>,
    %get3A_437 = arith.constant 2 : i32
    %get3A_438 = arith.index_cast %get3A_437 : i32 to index
    %get3A_439 = arith.constant 80 : index
    %get3A_440 = tpu.vector_load %arg7[%get3A_438, %get3A_439] {strides = array<i32>} : memref<4x128xi32, #tpu.memory_space<vmem>>, vector<1x16xi32>,
    %get3A_441 = vector.shape_cast %get3A_440 : vector<1x16xi32> to vector<16xi32>
    %mul3A_442 = arith.constant 11 : i32
    %mul3A_443 = vector.broadcast %mul3A_442 : i32 to vector<16xi32>
    %mul3A_444 = arith.muli %get3A_441, %mul3A_443 : vector<16xi32>
    %get3A_445 = arith.constant 2 : i32
    %get3A_446 = arith.index_cast %get3A_445 : i32 to index
    %get3A_447 = arith.constant 80 : index
    %get3A_448 = tpu.vector_load %arg8[%get3A_446, %get3A_447] {strides = array<i32>} : memref<4x128xi32, #tpu.memory_space<vmem>>, vector<1x16xi32>,
    %get3A_449 = vector.shape_cast %get3A_448 : vector<1x16xi32> to vector<16xi32>
    %add3A_450 = arith.addi %mul3A_444, %get3A_449 : vector<16xi32>
    %swap3A_451 = arith.constant 2 : i32
    %swap3A_452 = arith.index_cast %swap3A_451 : i32 to index
    %swap3A_453 = arith.constant 80 : index
    %swap3A_454 = tpu.vector_load %arg9[%swap3A_452, %swap3A_453] {strides = array<i32>} : memref<4x128xi32, #tpu.memory_space<vmem>>, vector<1x16xi32>,
    %swap3A_455 = vector.shape_cast %swap3A_454 : vector<1x16xi32> to vector<16xi32>
    %swap3A_456 = vector.shape_cast %add3A_450 : vector<16xi32> to vector<1x16xi32>
    tpu.vector_store %arg9[%swap3A_452, %swap3A_453], %swap3A_456 {strides = array<i32>} : memref<4x128xi32, #tpu.memory_space<vmem>>, vector<1x16xi32>,
    %get3A_457 = arith.constant 2 : i32
    %get3A_458 = arith.index_cast %get3A_457 : i32 to index
    %get3A_459 = arith.constant 96 : index
    %get3A_460 = tpu.vector_load %arg7[%get3A_458, %get3A_459] {strides = array<i32>} : memref<4x128xi32, #tpu.memory_space<vmem>>, vector<1x16xi32>,
    %get3A_461 = vector.shape_cast %get3A_460 : vector<1x16xi32> to vector<16xi32>
    %mul3A_462 = arith.constant 11 : i32
    %mul3A_463 = vector.broadcast %mul3A_462 : i32 to vector<16xi32>
    %mul3A_464 = arith.muli %get3A_461, %mul3A_463 : vector<16xi32>
    %get3A_465 = arith.constant 2 : i32
    %get3A_466 = arith.index_cast %get3A_465 : i32 to index
    %get3A_467 = arith.constant 96 : index
    %get3A_468 = tpu.vector_load %arg8[%get3A_466, %get3A_467] {strides = array<i32>} : memref<4x128xi32, #tpu.memory_space<vmem>>, vector<1x16xi32>,
    %get3A_469 = vector.shape_cast %get3A_468 : vector<1x16xi32> to vector<16xi32>
    %add3A_470 = arith.addi %mul3A_464, %get3A_469 : vector<16xi32>
    %swap3A_471 = arith.constant 2 : i32
    %swap3A_472 = arith.index_cast %swap3A_471 : i32 to index
    %swap3A_473 = arith.constant 96 : index
    %swap3A_474 = tpu.vector_load %arg9[%swap3A_472, %swap3A_473] {strides = array<i32>} : memref<4x128xi32, #tpu.memory_space<vmem>>, vector<1x16xi32>,
    %swap3A_475 = vector.shape_cast %swap3A_474 : vector<1x16xi32> to vector<16xi32>
    %swap3A_476 = vector.shape_cast %add3A_470 : vector<16xi32> to vector<1x16xi32>
    tpu.vector_store %arg9[%swap3A_472, %swap3A_473], %swap3A_476 {strides = array<i32>} : memref<4x128xi32, #tpu.memory_space<vmem>>, vector<1x16xi32>,
    %get3A_477 = arith.constant 2 : i32
    %get3A_478 = arith.index_cast %get3A_477 : i32 to index
    %get3A_479 = arith.constant 112 : index
    %get3A_480 = tpu.vector_load %arg7[%get3A_478, %get3A_479] {strides = array<i32>} : memref<4x128xi32, #tpu.memory_space<vmem>>, vector<1x16xi32>,
    %get3A_481 = vector.shape_cast %get3A_480 : vector<1x16xi32> to vector<16xi32>
    %mul3A_482 = arith.constant 11 : i32
    %mul3A_483 = vector.broadcast %mul3A_482 : i32 to vector<16xi32>
    %mul3A_484 = arith.muli %get3A_481, %mul3A_483 : vector<16xi32>
    %get3A_485 = arith.constant 2 : i32
    %get3A_486 = arith.index_cast %get3A_485 : i32 to index
    %get3A_487 = arith.constant 112 : index
    %get3A_488 = tpu.vector_load %arg8[%get3A_486, %get3A_487] {strides = array<i32>} : memref<4x128xi32, #tpu.memory_space<vmem>>, vector<1x16xi32>,
    %get3A_489 = vector.shape_cast %get3A_488 : vector<1x16xi32> to vector<16xi32>
    %add3A_490 = arith.addi %mul3A_484, %get3A_489 : vector<16xi32>
    %swap3A_491 = arith.constant 2 : i32
    %swap3A_492 = arith.index_cast %swap3A_491 : i32 to index
    %swap3A_493 = arith.constant 112 : index
    %swap3A_494 = tpu.vector_load %arg9[%swap3A_492, %swap3A_493] {strides = array<i32>} : memref<4x128xi32, #tpu.memory_space<vmem>>, vector<1x16xi32>,
    %swap3A_495 = vector.shape_cast %swap3A_494 : vector<1x16xi32> to vector<16xi32>
    %swap3A_496 = vector.shape_cast %add3A_490 : vector<16xi32> to vector<1x16xi32>
    tpu.vector_store %arg9[%swap3A_492, %swap3A_493], %swap3A_496 {strides = array<i32>} : memref<4x128xi32, #tpu.memory_space<vmem>>, vector<1x16xi32>,
    %get3A_497 = arith.constant 3 : i32
    %get3A_498 = arith.index_cast %get3A_497 : i32 to index
    %get3A_499 = arith.constant 0 : index
    %get3A_500 = tpu.vector_load %arg7[%get3A_498, %get3A_499] {strides = array<i32>} : memref<4x128xi32, #tpu.memory_space<vmem>>, vector<1x16xi32>,
    %get3A_501 = vector.shape_cast %get3A_500 : vector<1x16xi32> to vector<16xi32>
    %mul3A_502 = arith.constant 11 : i32
    %mul3A_503 = vector.broadcast %mul3A_502 : i32 to vector<16xi32>
    %mul3A_504 = arith.muli %get3A_501, %mul3A_503 : vector<16xi32>
    %get3A_505 = arith.constant 3 : i32
    %get3A_506 = arith.index_cast %get3A_505 : i32 to index
    %get3A_507 = arith.constant 0 : index
    %get3A_508 = tpu.vector_load %arg8[%get3A_506, %get3A_507] {strides = array<i32>} : memref<4x128xi32, #tpu.memory_space<vmem>>, vector<1x16xi32>,
    %get3A_509 = vector.shape_cast %get3A_508 : vector<1x16xi32> to vector<16xi32>
    %add3A_510 = arith.addi %mul3A_504, %get3A_509 : vector<16xi32>
    %swap3A_511 = arith.constant 3 : i32
    %swap3A_512 = arith.index_cast %swap3A_511 : i32 to index
    %swap3A_513 = arith.constant 0 : index
    %swap3A_514 = tpu.vector_load %arg9[%swap3A_512, %swap3A_513] {strides = array<i32>} : memref<4x128xi32, #tpu.memory_space<vmem>>, vector<1x16xi32>,
    %swap3A_515 = vector.shape_cast %swap3A_514 : vector<1x16xi32> to vector<16xi32>
    %swap3A_516 = vector.shape_cast %add3A_510 : vector<16xi32> to vector<1x16xi32>
    tpu.vector_store %arg9[%swap3A_512, %swap3A_513], %swap3A_516 {strides = array<i32>} : memref<4x128xi32, #tpu.memory_space<vmem>>, vector<1x16xi32>,
    %get3A_517 = arith.constant 3 : i32
    %get3A_518 = arith.index_cast %get3A_517 : i32 to index
    %get3A_519 = arith.constant 16 : index
    %get3A_520 = tpu.vector_load %arg7[%get3A_518, %get3A_519] {strides = array<i32>} : memref<4x128xi32, #tpu.memory_space<vmem>>, vector<1x16xi32>,
    %get3A_521 = vector.shape_cast %get3A_520 : vector<1x16xi32> to vector<16xi32>
    %mul3A_522 = arith.constant 11 : i32
    %mul3A_523 = vector.broadcast %mul3A_522 : i32 to vector<16xi32>
    %mul3A_524 = arith.muli %get3A_521, %mul3A_523 : vector<16xi32>
    %get3A_525 = arith.constant 3 : i32
    %get3A_526 = arith.index_cast %get3A_525 : i32 to index
    %get3A_527 = arith.constant 16 : index
    %get3A_528 = tpu.vector_load %arg8[%get3A_526, %get3A_527] {strides = array<i32>} : memref<4x128xi32, #tpu.memory_space<vmem>>, vector<1x16xi32>,
    %get3A_529 = vector.shape_cast %get3A_528 : vector<1x16xi32> to vector<16xi32>
    %add3A_530 = arith.addi %mul3A_524, %get3A_529 : vector<16xi32>
    %swap3A_531 = arith.constant 3 : i32
    %swap3A_532 = arith.index_cast %swap3A_531 : i32 to index
    %swap3A_533 = arith.constant 16 : index
    %swap3A_534 = tpu.vector_load %arg9[%swap3A_532, %swap3A_533] {strides = array<i32>} : memref<4x128xi32, #tpu.memory_space<vmem>>, vector<1x16xi32>,
    %swap3A_535 = vector.shape_cast %swap3A_534 : vector<1x16xi32> to vector<16xi32>
    %swap3A_536 = vector.shape_cast %add3A_530 : vector<16xi32> to vector<1x16xi32>
    tpu.vector_store %arg9[%swap3A_532, %swap3A_533], %swap3A_536 {strides = array<i32>} : memref<4x128xi32, #tpu.memory_space<vmem>>, vector<1x16xi32>,
    %get3A_537 = arith.constant 3 : i32
    %get3A_538 = arith.index_cast %get3A_537 : i32 to index
    %get3A_539 = arith.constant 32 : index
    %get3A_540 = tpu.vector_load %arg7[%get3A_538, %get3A_539] {strides = array<i32>} : memref<4x128xi32, #tpu.memory_space<vmem>>, vector<1x16xi32>,
    %get3A_541 = vector.shape_cast %get3A_540 : vector<1x16xi32> to vector<16xi32>
    %mul3A_542 = arith.constant 11 : i32
    %mul3A_543 = vector.broadcast %mul3A_542 : i32 to vector<16xi32>
    %mul3A_544 = arith.muli %get3A_541, %mul3A_543 : vector<16xi32>
    %get3A_545 = arith.constant 3 : i32
    %get3A_546 = arith.index_cast %get3A_545 : i32 to index
    %get3A_547 = arith.constant 32 : index
    %get3A_548 = tpu.vector_load %arg8[%get3A_546, %get3A_547] {strides = array<i32>} : memref<4x128xi32, #tpu.memory_space<vmem>>, vector<1x16xi32>,
    %get3A_549 = vector.shape_cast %get3A_548 : vector<1x16xi32> to vector<16xi32>
    %add3A_550 = arith.addi %mul3A_544, %get3A_549 : vector<16xi32>
    %swap3A_551 = arith.constant 3 : i32
    %swap3A_552 = arith.index_cast %swap3A_551 : i32 to index
    %swap3A_553 = arith.constant 32 : index
    %swap3A_554 = tpu.vector_load %arg9[%swap3A_552, %swap3A_553] {strides = array<i32>} : memref<4x128xi32, #tpu.memory_space<vmem>>, vector<1x16xi32>,
    %swap3A_555 = vector.shape_cast %swap3A_554 : vector<1x16xi32> to vector<16xi32>
    %swap3A_556 = vector.shape_cast %add3A_550 : vector<16xi32> to vector<1x16xi32>
    tpu.vector_store %arg9[%swap3A_552, %swap3A_553], %swap3A_556 {strides = array<i32>} : memref<4x128xi32, #tpu.memory_space<vmem>>, vector<1x16xi32>,
    %get3A_557 = arith.constant 3 : i32
    %get3A_558 = arith.index_cast %get3A_557 : i32 to index
    %get3A_559 = arith.constant 48 : index
    %get3A_560 = tpu.vector_load %arg7[%get3A_558, %get3A_559] {strides = array<i32>} : memref<4x128xi32, #tpu.memory_space<vmem>>, vector<1x16xi32>,
    %get3A_561 = vector.shape_cast %get3A_560 : vector<1x16xi32> to vector<16xi32>
    %mul3A_562 = arith.constant 11 : i32
    %mul3A_563 = vector.broadcast %mul3A_562 : i32 to vector<16xi32>
    %mul3A_564 = arith.muli %get3A_561, %mul3A_563 : vector<16xi32>
    %get3A_565 = arith.constant 3 : i32
    %get3A_566 = arith.index_cast %get3A_565 : i32 to index
    %get3A_567 = arith.constant 48 : index
    %get3A_568 = tpu.vector_load %arg8[%get3A_566, %get3A_567] {strides = array<i32>} : memref<4x128xi32, #tpu.memory_space<vmem>>, vector<1x16xi32>,
    %get3A_569 = vector.shape_cast %get3A_568 : vector<1x16xi32> to vector<16xi32>
    %add3A_570 = arith.addi %mul3A_564, %get3A_569 : vector<16xi32>
    %swap3A_571 = arith.constant 3 : i32
    %swap3A_572 = arith.index_cast %swap3A_571 : i32 to index
    %swap3A_573 = arith.constant 48 : index
    %swap3A_574 = tpu.vector_load %arg9[%swap3A_572, %swap3A_573] {strides = array<i32>} : memref<4x128xi32, #tpu.memory_space<vmem>>, vector<1x16xi32>,
    %swap3A_575 = vector.shape_cast %swap3A_574 : vector<1x16xi32> to vector<16xi32>
    %swap3A_576 = vector.shape_cast %add3A_570 : vector<16xi32> to vector<1x16xi32>
    tpu.vector_store %arg9[%swap3A_572, %swap3A_573], %swap3A_576 {strides = array<i32>} : memref<4x128xi32, #tpu.memory_space<vmem>>, vector<1x16xi32>,
    %get3A_577 = arith.constant 3 : i32
    %get3A_578 = arith.index_cast %get3A_577 : i32 to index
    %get3A_579 = arith.constant 64 : index
    %get3A_580 = tpu.vector_load %arg7[%get3A_578, %get3A_579] {strides = array<i32>} : memref<4x128xi32, #tpu.memory_space<vmem>>, vector<1x16xi32>,
    %get3A_581 = vector.shape_cast %get3A_580 : vector<1x16xi32> to vector<16xi32>
    %mul3A_582 = arith.constant 11 : i32
    %mul3A_583 = vector.broadcast %mul3A_582 : i32 to vector<16xi32>
    %mul3A_584 = arith.muli %get3A_581, %mul3A_583 : vector<16xi32>
    %get3A_585 = arith.constant 3 : i32
    %get3A_586 = arith.index_cast %get3A_585 : i32 to index
    %get3A_587 = arith.constant 64 : index
    %get3A_588 = tpu.vector_load %arg8[%get3A_586, %get3A_587] {strides = array<i32>} : memref<4x128xi32, #tpu.memory_space<vmem>>, vector<1x16xi32>,
    %get3A_589 = vector.shape_cast %get3A_588 : vector<1x16xi32> to vector<16xi32>
    %add3A_590 = arith.addi %mul3A_584, %get3A_589 : vector<16xi32>
    %swap3A_591 = arith.constant 3 : i32
    %swap3A_592 = arith.index_cast %swap3A_591 : i32 to index
    %swap3A_593 = arith.constant 64 : index
    %swap3A_594 = tpu.vector_load %arg9[%swap3A_592, %swap3A_593] {strides = array<i32>} : memref<4x128xi32, #tpu.memory_space<vmem>>, vector<1x16xi32>,
    %swap3A_595 = vector.shape_cast %swap3A_594 : vector<1x16xi32> to vector<16xi32>
    %swap3A_596 = vector.shape_cast %add3A_590 : vector<16xi32> to vector<1x16xi32>
    tpu.vector_store %arg9[%swap3A_592, %swap3A_593], %swap3A_596 {strides = array<i32>} : memref<4x128xi32, #tpu.memory_space<vmem>>, vector<1x16xi32>,
    %get3A_597 = arith.constant 3 : i32
    %get3A_598 = arith.index_cast %get3A_597 : i32 to index
    %get3A_599 = arith.constant 80 : index
    %get3A_600 = tpu.vector_load %arg7[%get3A_598, %get3A_599] {strides = array<i32>} : memref<4x128xi32, #tpu.memory_space<vmem>>, vector<1x16xi32>,
    %get3A_601 = vector.shape_cast %get3A_600 : vector<1x16xi32> to vector<16xi32>
    %mul3A_602 = arith.constant 11 : i32
    %mul3A_603 = vector.broadcast %mul3A_602 : i32 to vector<16xi32>
    %mul3A_604 = arith.muli %get3A_601, %mul3A_603 : vector<16xi32>
    %get3A_605 = arith.constant 3 : i32
    %get3A_606 = arith.index_cast %get3A_605 : i32 to index
    %get3A_607 = arith.constant 80 : index
    %get3A_608 = tpu.vector_load %arg8[%get3A_606, %get3A_607] {strides = array<i32>} : memref<4x128xi32, #tpu.memory_space<vmem>>, vector<1x16xi32>,
    %get3A_609 = vector.shape_cast %get3A_608 : vector<1x16xi32> to vector<16xi32>
    %add3A_610 = arith.addi %mul3A_604, %get3A_609 : vector<16xi32>
    %swap3A_611 = arith.constant 3 : i32
    %swap3A_612 = arith.index_cast %swap3A_611 : i32 to index
    %swap3A_613 = arith.constant 80 : index
    %swap3A_614 = tpu.vector_load %arg9[%swap3A_612, %swap3A_613] {strides = array<i32>} : memref<4x128xi32, #tpu.memory_space<vmem>>, vector<1x16xi32>,
    %swap3A_615 = vector.shape_cast %swap3A_614 : vector<1x16xi32> to vector<16xi32>
    %swap3A_616 = vector.shape_cast %add3A_610 : vector<16xi32> to vector<1x16xi32>
    tpu.vector_store %arg9[%swap3A_612, %swap3A_613], %swap3A_616 {strides = array<i32>} : memref<4x128xi32, #tpu.memory_space<vmem>>, vector<1x16xi32>,
    %get3A_617 = arith.constant 3 : i32
    %get3A_618 = arith.index_cast %get3A_617 : i32 to index
    %get3A_619 = arith.constant 96 : index
    %get3A_620 = tpu.vector_load %arg7[%get3A_618, %get3A_619] {strides = array<i32>} : memref<4x128xi32, #tpu.memory_space<vmem>>, vector<1x16xi32>,
    %get3A_621 = vector.shape_cast %get3A_620 : vector<1x16xi32> to vector<16xi32>
    %mul3A_622 = arith.constant 11 : i32
    %mul3A_623 = vector.broadcast %mul3A_622 : i32 to vector<16xi32>
    %mul3A_624 = arith.muli %get3A_621, %mul3A_623 : vector<16xi32>
    %get3A_625 = arith.constant 3 : i32
    %get3A_626 = arith.index_cast %get3A_625 : i32 to index
    %get3A_627 = arith.constant 96 : index
    %get3A_628 = tpu.vector_load %arg8[%get3A_626, %get3A_627] {strides = array<i32>} : memref<4x128xi32, #tpu.memory_space<vmem>>, vector<1x16xi32>,
    %get3A_629 = vector.shape_cast %get3A_628 : vector<1x16xi32> to vector<16xi32>
    %add3A_630 = arith.addi %mul3A_624, %get3A_629 : vector<16xi32>
    %swap3A_631 = arith.constant 3 : i32
    %swap3A_632 = arith.index_cast %swap3A_631 : i32 to index
    %swap3A_633 = arith.constant 96 : index
    %swap3A_634 = tpu.vector_load %arg9[%swap3A_632, %swap3A_633] {strides = array<i32>} : memref<4x128xi32, #tpu.memory_space<vmem>>, vector<1x16xi32>,
    %swap3A_635 = vector.shape_cast %swap3A_634 : vector<1x16xi32> to vector<16xi32>
    %swap3A_636 = vector.shape_cast %add3A_630 : vector<16xi32> to vector<1x16xi32>
    tpu.vector_store %arg9[%swap3A_632, %swap3A_633], %swap3A_636 {strides = array<i32>} : memref<4x128xi32, #tpu.memory_space<vmem>>, vector<1x16xi32>,
    %get3A_637 = arith.constant 3 : i32
    %get3A_638 = arith.index_cast %get3A_637 : i32 to index
    %get3A_639 = arith.constant 112 : index
    %get3A_640 = tpu.vector_load %arg7[%get3A_638, %get3A_639] {strides = array<i32>} : memref<4x128xi32, #tpu.memory_space<vmem>>, vector<1x16xi32>,
    %get3A_641 = vector.shape_cast %get3A_640 : vector<1x16xi32> to vector<16xi32>
    %mul3A_642 = arith.constant 11 : i32
    %mul3A_643 = vector.broadcast %mul3A_642 : i32 to vector<16xi32>
    %mul3A_644 = arith.muli %get3A_641, %mul3A_643 : vector<16xi32>
    %get3A_645 = arith.constant 3 : i32
    %get3A_646 = arith.index_cast %get3A_645 : i32 to index
    %get3A_647 = arith.constant 112 : index
    %get3A_648 = tpu.vector_load %arg8[%get3A_646, %get3A_647] {strides = array<i32>} : memref<4x128xi32, #tpu.memory_space<vmem>>, vector<1x16xi32>,
    %get3A_649 = vector.shape_cast %get3A_648 : vector<1x16xi32> to vector<16xi32>
    %add3A_650 = arith.addi %mul3A_644, %get3A_649 : vector<16xi32>
    %swap3A_651 = arith.constant 3 : i32
    %swap3A_652 = arith.index_cast %swap3A_651 : i32 to index
    %swap3A_653 = arith.constant 112 : index
    %swap3A_654 = tpu.vector_load %arg9[%swap3A_652, %swap3A_653] {strides = array<i32>} : memref<4x128xi32, #tpu.memory_space<vmem>>, vector<1x16xi32>,
    %swap3A_655 = vector.shape_cast %swap3A_654 : vector<1x16xi32> to vector<16xi32>
    %swap3A_656 = vector.shape_cast %add3A_650 : vector<16xi32> to vector<1x16xi32>
    tpu.vector_store %arg9[%swap3A_652, %swap3A_653], %swap3A_656 {strides = array<i32>} : memref<4x128xi32, #tpu.memory_space<vmem>>, vector<1x16xi32>,
    %barrier3A = arith.constant 0 : index
    tpu.barrier barrier_id(%barrier3A)
    %dma_start3A_657 = arith.constant 0 : i32
    %dma_start3A_658 = arith.constant 0 : i32
    %dma_start3A_659 = arith.constant 0 : i32
    %dma_start3A_660 = arith.constant 0 : i32
    %dma_start3A_661 = tpu.memref_slice %arg10[%dma_start3A_658, %dma_start3A_659, %dma_start3A_660] : memref<4x128x128xf32, #tpu.memory_space<vmem>> -> memref<1x128x128xf32, #tpu.memory_space<vmem>>
    %dma_start3A_662 = tpu.memref_squeeze %dma_start3A_661 : memref<1x128x128xf32, #tpu.memory_space<vmem>> -> memref<128x128xf32, #tpu.memory_space<vmem>>
    %dma_start3A_663 = arith.constant 0 : i32
    %dma_start3A_664 = tpu.memref_slice %arg9[%dma_start3A_657, %dma_start3A_663] : memref<4x128xi32, #tpu.memory_space<vmem>> -> memref<1x128xi32, #tpu.memory_space<vmem>>
    %dma_start3A_665 = tpu.memref_squeeze %dma_start3A_664 : memref<1x128xi32, #tpu.memory_space<vmem>> -> memref<128xi32, #tpu.memory_space<vmem>>
    %dma_start3A_666 = arith.constant 0 : i32
    %dma_start3A_667 = arith.constant 0 : i32
    %dma_start3A_668 = tpu.memref_slice %arg6[%dma_start3A_666, %dma_start3A_667] : memref<121x128xf32, #tpu.memory_space<vmem_shared>> -> memref<121x128xf32, #tpu.memory_space<vmem_shared>>
    tpu.enqueue_indirect_dma source(%dma_start3A_668 : memref<121x128xf32, #tpu.memory_space<vmem_shared>>) target(%dma_start3A_662 : memref<128x128xf32, #tpu.memory_space<vmem>>) offsets(%dma_start3A_665 : memref<128xi32, #tpu.memory_space<vmem>>) semaphore(%arg13 : memref<!tpu.dma_semaphore, #tpu.memory_space<semaphore_mem>>)
    %dma_start3A_669 = arith.constant 1 : i32
    %dma_start3A_670 = arith.constant 1 : i32
    %dma_start3A_671 = arith.constant 0 : i32
    %dma_start3A_672 = arith.constant 0 : i32
    %dma_start3A_673 = tpu.memref_slice %arg10[%dma_start3A_670, %dma_start3A_671, %dma_start3A_672] : memref<4x128x128xf32, #tpu.memory_space<vmem>> -> memref<1x128x128xf32, #tpu.memory_space<vmem>>
    %dma_start3A_674 = tpu.memref_squeeze %dma_start3A_673 : memref<1x128x128xf32, #tpu.memory_space<vmem>> -> memref<128x128xf32, #tpu.memory_space<vmem>>
    %dma_start3A_675 = arith.constant 0 : i32
    %dma_start3A_676 = tpu.memref_slice %arg9[%dma_start3A_669, %dma_start3A_675] : memref<4x128xi32, #tpu.memory_space<vmem>> -> memref<1x128xi32, #tpu.memory_space<vmem>>
    %dma_start3A_677 = tpu.memref_squeeze %dma_start3A_676 : memref<1x128xi32, #tpu.memory_space<vmem>> -> memref<128xi32, #tpu.memory_space<vmem>>
    %dma_start3A_678 = arith.constant 0 : i32
    %dma_start3A_679 = arith.constant 0 : i32
    %dma_start3A_680 = tpu.memref_slice %arg6[%dma_start3A_678, %dma_start3A_679] : memref<121x128xf32, #tpu.memory_space<vmem_shared>> -> memref<121x128xf32, #tpu.memory_space<vmem_shared>>
    tpu.enqueue_indirect_dma source(%dma_start3A_680 : memref<121x128xf32, #tpu.memory_space<vmem_shared>>) target(%dma_start3A_674 : memref<128x128xf32, #tpu.memory_space<vmem>>) offsets(%dma_start3A_677 : memref<128xi32, #tpu.memory_space<vmem>>) semaphore(%arg14 : memref<!tpu.dma_semaphore, #tpu.memory_space<semaphore_mem>>)
    %dma_start3A_681 = arith.constant 2 : i32
    %dma_start3A_682 = arith.constant 2 : i32
    %dma_start3A_683 = arith.constant 0 : i32
    %dma_start3A_684 = arith.constant 0 : i32
    %dma_start3A_685 = tpu.memref_slice %arg10[%dma_start3A_682, %dma_start3A_683, %dma_start3A_684] : memref<4x128x128xf32, #tpu.memory_space<vmem>> -> memref<1x128x128xf32, #tpu.memory_space<vmem>>
    %dma_start3A_686 = tpu.memref_squeeze %dma_start3A_685 : memref<1x128x128xf32, #tpu.memory_space<vmem>> -> memref<128x128xf32, #tpu.memory_space<vmem>>
    %dma_start3A_687 = arith.constant 0 : i32
    %dma_start3A_688 = tpu.memref_slice %arg9[%dma_start3A_681, %dma_start3A_687] : memref<4x128xi32, #tpu.memory_space<vmem>> -> memref<1x128xi32, #tpu.memory_space<vmem>>
    %dma_start3A_689 = tpu.memref_squeeze %dma_start3A_688 : memref<1x128xi32, #tpu.memory_space<vmem>> -> memref<128xi32, #tpu.memory_space<vmem>>
    %dma_start3A_690 = arith.constant 0 : i32
    %dma_start3A_691 = arith.constant 0 : i32
    %dma_start3A_692 = tpu.memref_slice %arg6[%dma_start3A_690, %dma_start3A_691] : memref<121x128xf32, #tpu.memory_space<vmem_shared>> -> memref<121x128xf32, #tpu.memory_space<vmem_shared>>
    tpu.enqueue_indirect_dma source(%dma_start3A_692 : memref<121x128xf32, #tpu.memory_space<vmem_shared>>) target(%dma_start3A_686 : memref<128x128xf32, #tpu.memory_space<vmem>>) offsets(%dma_start3A_689 : memref<128xi32, #tpu.memory_space<vmem>>) semaphore(%arg15 : memref<!tpu.dma_semaphore, #tpu.memory_space<semaphore_mem>>)
    %dma_start3A_693 = arith.constant 3 : i32
    %dma_start3A_694 = arith.constant 3 : i32
    %dma_start3A_695 = arith.constant 0 : i32
    %dma_start3A_696 = arith.constant 0 : i32
    %dma_start3A_697 = tpu.memref_slice %arg10[%dma_start3A_694, %dma_start3A_695, %dma_start3A_696] : memref<4x128x128xf32, #tpu.memory_space<vmem>> -> memref<1x128x128xf32, #tpu.memory_space<vmem>>
    %dma_start3A_698 = tpu.memref_squeeze %dma_start3A_697 : memref<1x128x128xf32, #tpu.memory_space<vmem>> -> memref<128x128xf32, #tpu.memory_space<vmem>>
    %dma_start3A_699 = arith.constant 0 : i32
    %dma_start3A_700 = tpu.memref_slice %arg9[%dma_start3A_693, %dma_start3A_699] : memref<4x128xi32, #tpu.memory_space<vmem>> -> memref<1x128xi32, #tpu.memory_space<vmem>>
    %dma_start3A_701 = tpu.memref_squeeze %dma_start3A_700 : memref<1x128xi32, #tpu.memory_space<vmem>> -> memref<128xi32, #tpu.memory_space<vmem>>
    %dma_start3A_702 = arith.constant 0 : i32
    %dma_start3A_703 = arith.constant 0 : i32
    %dma_start3A_704 = tpu.memref_slice %arg6[%dma_start3A_702, %dma_start3A_703] : memref<121x128xf32, #tpu.memory_space<vmem_shared>> -> memref<121x128xf32, #tpu.memory_space<vmem_shared>>
    tpu.enqueue_indirect_dma source(%dma_start3A_704 : memref<121x128xf32, #tpu.memory_space<vmem_shared>>) target(%dma_start3A_698 : memref<128x128xf32, #tpu.memory_space<vmem>>) offsets(%dma_start3A_701 : memref<128xi32, #tpu.memory_space<vmem>>) semaphore(%arg16 : memref<!tpu.dma_semaphore, #tpu.memory_space<semaphore_mem>>)
    %dma_wait3A_705 = arith.constant 0 : i32
    %dma_wait3A_706 = arith.constant 0 : i32
    %dma_wait3A_707 = arith.constant 0 : i32
    %dma_wait3A_708 = arith.constant 0 : i32
    %dma_wait3A_709 = tpu.memref_slice %arg10[%dma_wait3A_706, %dma_wait3A_707, %dma_wait3A_708] : memref<4x128x128xf32, #tpu.memory_space<vmem>> -> memref<1x128x128xf32, #tpu.memory_space<vmem>>
    %dma_wait3A_710 = tpu.memref_squeeze %dma_wait3A_709 : memref<1x128x128xf32, #tpu.memory_space<vmem>> -> memref<128x128xf32, #tpu.memory_space<vmem>>
    %dma_wait3A_711 = arith.constant 0 : i32
    %dma_wait3A_712 = tpu.memref_slice %arg9[%dma_wait3A_705, %dma_wait3A_711] : memref<4x128xi32, #tpu.memory_space<vmem>> -> memref<1x128xi32, #tpu.memory_space<vmem>>
    %dma_wait3A_713 = tpu.memref_squeeze %dma_wait3A_712 : memref<1x128xi32, #tpu.memory_space<vmem>> -> memref<128xi32, #tpu.memory_space<vmem>>
    %dma_wait3A_714 = arith.constant 0 : i32
    %dma_wait3A_715 = arith.constant 0 : i32
    %dma_wait3A_716 = tpu.memref_slice %arg6[%dma_wait3A_714, %dma_wait3A_715] : memref<121x128xf32, #tpu.memory_space<vmem_shared>> -> memref<121x128xf32, #tpu.memory_space<vmem_shared>>
    tpu.wait_indirect_dma semaphore(%arg13 : memref<!tpu.dma_semaphore, #tpu.memory_space<semaphore_mem>>) src(%dma_wait3A_716 : memref<121x128xf32, #tpu.memory_space<vmem_shared>>) dst(%dma_wait3A_710 : memref<128x128xf32, #tpu.memory_space<vmem>>)
    %add3A_717 = arith.constant 0 : i32
    %add3A_718 = arith.addi %mul3A_2, %add3A_717 : i32
    %dma_start3A_719 = arith.constant 0 : i32
    %dma_start3A_720 = arith.constant 0 : i32
    %dma_start3A_721 = arith.constant 0 : i32
    %dma_start3A_722 = tpu.memref_slice %arg10[%dma_start3A_719, %dma_start3A_720, %dma_start3A_721] : memref<4x128x128xf32, #tpu.memory_space<vmem>> -> memref<1x128x128xf32, #tpu.memory_space<vmem>>
    %dma_start3A_723 = tpu.memref_squeeze %dma_start3A_722 : memref<1x128x128xf32, #tpu.memory_space<vmem>> -> memref<128x128xf32, #tpu.memory_space<vmem>>
    %dma_start3A_724 = arith.constant 0 : i32
    %dma_start3A_725 = arith.constant 0 : i32
    %dma_start3A_726 = tpu.memref_slice %arg5[%add3A_718, %dma_start3A_724, %dma_start3A_725] : memref<128x128x128xf32, #tpu.memory_space<hbm>> -> memref<1x128x128xf32, #tpu.memory_space<hbm>>
    %dma_start3A_727 = tpu.memref_squeeze %dma_start3A_726 : memref<1x128x128xf32, #tpu.memory_space<hbm>> -> memref<128x128xf32, #tpu.memory_space<hbm>>
    %dma_start3A_728 = arith.constant 0 : i32
    %dma_start3A_729 = arith.constant 0 : i32
    %dma_start3A_730 = tpu.memref_slice %arg5[%add3A_718, %dma_start3A_728, %dma_start3A_729] : memref<128x128x128xf32, #tpu.memory_space<hbm>> -> memref<1x128x128xf32, #tpu.memory_space<hbm>>
    %dma_start3A_731 = tpu.memref_squeeze %dma_start3A_730 : memref<1x128x128xf32, #tpu.memory_space<hbm>> -> memref<128x128xf32, #tpu.memory_space<hbm>>
    %dma_start3A_732 = arith.constant 0 : i32
    %dma_start3A_733 = arith.constant 0 : i32
    %dma_start3A_734 = tpu.memref_slice %arg10[%dma_start3A_719, %dma_start3A_732, %dma_start3A_733] : memref<4x128x128xf32, #tpu.memory_space<vmem>> -> memref<1x128x128xf32, #tpu.memory_space<vmem>>
    %dma_start3A_735 = tpu.memref_squeeze %dma_start3A_734 : memref<1x128x128xf32, #tpu.memory_space<vmem>> -> memref<128x128xf32, #tpu.memory_space<vmem>>
    tpu.enqueue_dma source(%dma_start3A_735 : memref<128x128xf32, #tpu.memory_space<vmem>>) target(%dma_start3A_731 : memref<128x128xf32, #tpu.memory_space<hbm>>) target_semaphore(%arg12 : memref<!tpu.dma_semaphore, #tpu.memory_space<semaphore_mem>>)
    %dma_wait3A_736 = arith.constant 1 : i32
    %dma_wait3A_737 = arith.constant 1 : i32
    %dma_wait3A_738 = arith.constant 0 : i32
    %dma_wait3A_739 = arith.constant 0 : i32
    %dma_wait3A_740 = tpu.memref_slice %arg10[%dma_wait3A_737, %dma_wait3A_738, %dma_wait3A_739] : memref<4x128x128xf32, #tpu.memory_space<vmem>> -> memref<1x128x128xf32, #tpu.memory_space<vmem>>
    %dma_wait3A_741 = tpu.memref_squeeze %dma_wait3A_740 : memref<1x128x128xf32, #tpu.memory_space<vmem>> -> memref<128x128xf32, #tpu.memory_space<vmem>>
    %dma_wait3A_742 = arith.constant 0 : i32
    %dma_wait3A_743 = tpu.memref_slice %arg9[%dma_wait3A_736, %dma_wait3A_742] : memref<4x128xi32, #tpu.memory_space<vmem>> -> memref<1x128xi32, #tpu.memory_space<vmem>>
    %dma_wait3A_744 = tpu.memref_squeeze %dma_wait3A_743 : memref<1x128xi32, #tpu.memory_space<vmem>> -> memref<128xi32, #tpu.memory_space<vmem>>
    %dma_wait3A_745 = arith.constant 0 : i32
    %dma_wait3A_746 = arith.constant 0 : i32
    %dma_wait3A_747 = tpu.memref_slice %arg6[%dma_wait3A_745, %dma_wait3A_746] : memref<121x128xf32, #tpu.memory_space<vmem_shared>> -> memref<121x128xf32, #tpu.memory_space<vmem_shared>>
    tpu.wait_indirect_dma semaphore(%arg14 : memref<!tpu.dma_semaphore, #tpu.memory_space<semaphore_mem>>) src(%dma_wait3A_747 : memref<121x128xf32, #tpu.memory_space<vmem_shared>>) dst(%dma_wait3A_741 : memref<128x128xf32, #tpu.memory_space<vmem>>)
    %add3A_748 = arith.constant 1 : i32
    %add3A_749 = arith.addi %mul3A_2, %add3A_748 : i32
    %dma_start3A_750 = arith.constant 1 : i32
    %dma_start3A_751 = arith.constant 0 : i32
    %dma_start3A_752 = arith.constant 0 : i32
    %dma_start3A_753 = tpu.memref_slice %arg10[%dma_start3A_750, %dma_start3A_751, %dma_start3A_752] : memref<4x128x128xf32, #tpu.memory_space<vmem>> -> memref<1x128x128xf32, #tpu.memory_space<vmem>>
    %dma_start3A_754 = tpu.memref_squeeze %dma_start3A_753 : memref<1x128x128xf32, #tpu.memory_space<vmem>> -> memref<128x128xf32, #tpu.memory_space<vmem>>
    %dma_start3A_755 = arith.constant 0 : i32
    %dma_start3A_756 = arith.constant 0 : i32
    %dma_start3A_757 = tpu.memref_slice %arg5[%add3A_749, %dma_start3A_755, %dma_start3A_756] : memref<128x128x128xf32, #tpu.memory_space<hbm>> -> memref<1x128x128xf32, #tpu.memory_space<hbm>>
    %dma_start3A_758 = tpu.memref_squeeze %dma_start3A_757 : memref<1x128x128xf32, #tpu.memory_space<hbm>> -> memref<128x128xf32, #tpu.memory_space<hbm>>
    %dma_start3A_759 = arith.constant 0 : i32
    %dma_start3A_760 = arith.constant 0 : i32
    %dma_start3A_761 = tpu.memref_slice %arg5[%add3A_749, %dma_start3A_759, %dma_start3A_760] : memref<128x128x128xf32, #tpu.memory_space<hbm>> -> memref<1x128x128xf32, #tpu.memory_space<hbm>>
    %dma_start3A_762 = tpu.memref_squeeze %dma_start3A_761 : memref<1x128x128xf32, #tpu.memory_space<hbm>> -> memref<128x128xf32, #tpu.memory_space<hbm>>
    %dma_start3A_763 = arith.constant 0 : i32
    %dma_start3A_764 = arith.constant 0 : i32
    %dma_start3A_765 = tpu.memref_slice %arg10[%dma_start3A_750, %dma_start3A_763, %dma_start3A_764] : memref<4x128x128xf32, #tpu.memory_space<vmem>> -> memref<1x128x128xf32, #tpu.memory_space<vmem>>
    %dma_start3A_766 = tpu.memref_squeeze %dma_start3A_765 : memref<1x128x128xf32, #tpu.memory_space<vmem>> -> memref<128x128xf32, #tpu.memory_space<vmem>>
    tpu.enqueue_dma source(%dma_start3A_766 : memref<128x128xf32, #tpu.memory_space<vmem>>) target(%dma_start3A_762 : memref<128x128xf32, #tpu.memory_space<hbm>>) target_semaphore(%arg12 : memref<!tpu.dma_semaphore, #tpu.memory_space<semaphore_mem>>)
    %dma_wait3A_767 = arith.constant 2 : i32
    %dma_wait3A_768 = arith.constant 2 : i32
    %dma_wait3A_769 = arith.constant 0 : i32
    %dma_wait3A_770 = arith.constant 0 : i32
    %dma_wait3A_771 = tpu.memref_slice %arg10[%dma_wait3A_768, %dma_wait3A_769, %dma_wait3A_770] : memref<4x128x128xf32, #tpu.memory_space<vmem>> -> memref<1x128x128xf32, #tpu.memory_space<vmem>>
    %dma_wait3A_772 = tpu.memref_squeeze %dma_wait3A_771 : memref<1x128x128xf32, #tpu.memory_space<vmem>> -> memref<128x128xf32, #tpu.memory_space<vmem>>
    %dma_wait3A_773 = arith.constant 0 : i32
    %dma_wait3A_774 = tpu.memref_slice %arg9[%dma_wait3A_767, %dma_wait3A_773] : memref<4x128xi32, #tpu.memory_space<vmem>> -> memref<1x128xi32, #tpu.memory_space<vmem>>
    %dma_wait3A_775 = tpu.memref_squeeze %dma_wait3A_774 : memref<1x128xi32, #tpu.memory_space<vmem>> -> memref<128xi32, #tpu.memory_space<vmem>>
    %dma_wait3A_776 = arith.constant 0 : i32
    %dma_wait3A_777 = arith.constant 0 : i32
    %dma_wait3A_778 = tpu.memref_slice %arg6[%dma_wait3A_776, %dma_wait3A_777] : memref<121x128xf32, #tpu.memory_space<vmem_shared>> -> memref<121x128xf32, #tpu.memory_space<vmem_shared>>
    tpu.wait_indirect_dma semaphore(%arg15 : memref<!tpu.dma_semaphore, #tpu.memory_space<semaphore_mem>>) src(%dma_wait3A_778 : memref<121x128xf32, #tpu.memory_space<vmem_shared>>) dst(%dma_wait3A_772 : memref<128x128xf32, #tpu.memory_space<vmem>>)
    %add3A_779 = arith.constant 2 : i32
    %add3A_780 = arith.addi %mul3A_2, %add3A_779 : i32
    %dma_start3A_781 = arith.constant 2 : i32
    %dma_start3A_782 = arith.constant 0 : i32
    %dma_start3A_783 = arith.constant 0 : i32
    %dma_start3A_784 = tpu.memref_slice %arg10[%dma_start3A_781, %dma_start3A_782, %dma_start3A_783] : memref<4x128x128xf32, #tpu.memory_space<vmem>> -> memref<1x128x128xf32, #tpu.memory_space<vmem>>
    %dma_start3A_785 = tpu.memref_squeeze %dma_start3A_784 : memref<1x128x128xf32, #tpu.memory_space<vmem>> -> memref<128x128xf32, #tpu.memory_space<vmem>>
    %dma_start3A_786 = arith.constant 0 : i32
    %dma_start3A_787 = arith.constant 0 : i32
    %dma_start3A_788 = tpu.memref_slice %arg5[%add3A_780, %dma_start3A_786, %dma_start3A_787] : memref<128x128x128xf32, #tpu.memory_space<hbm>> -> memref<1x128x128xf32, #tpu.memory_space<hbm>>
    %dma_start3A_789 = tpu.memref_squeeze %dma_start3A_788 : memref<1x128x128xf32, #tpu.memory_space<hbm>> -> memref<128x128xf32, #tpu.memory_space<hbm>>
    %dma_start3A_790 = arith.constant 0 : i32
    %dma_start3A_791 = arith.constant 0 : i32
    %dma_start3A_792 = tpu.memref_slice %arg5[%add3A_780, %dma_start3A_790, %dma_start3A_791] : memref<128x128x128xf32, #tpu.memory_space<hbm>> -> memref<1x128x128xf32, #tpu.memory_space<hbm>>
    %dma_start3A_793 = tpu.memref_squeeze %dma_start3A_792 : memref<1x128x128xf32, #tpu.memory_space<hbm>> -> memref<128x128xf32, #tpu.memory_space<hbm>>
    %dma_start3A_794 = arith.constant 0 : i32
    %dma_start3A_795 = arith.constant 0 : i32
    %dma_start3A_796 = tpu.memref_slice %arg10[%dma_start3A_781, %dma_start3A_794, %dma_start3A_795] : memref<4x128x128xf32, #tpu.memory_space<vmem>> -> memref<1x128x128xf32, #tpu.memory_space<vmem>>
    %dma_start3A_797 = tpu.memref_squeeze %dma_start3A_796 : memref<1x128x128xf32, #tpu.memory_space<vmem>> -> memref<128x128xf32, #tpu.memory_space<vmem>>
    tpu.enqueue_dma source(%dma_start3A_797 : memref<128x128xf32, #tpu.memory_space<vmem>>) target(%dma_start3A_793 : memref<128x128xf32, #tpu.memory_space<hbm>>) target_semaphore(%arg12 : memref<!tpu.dma_semaphore, #tpu.memory_space<semaphore_mem>>)
    %dma_wait3A_798 = arith.constant 3 : i32
    %dma_wait3A_799 = arith.constant 3 : i32
    %dma_wait3A_800 = arith.constant 0 : i32
    %dma_wait3A_801 = arith.constant 0 : i32
    %dma_wait3A_802 = tpu.memref_slice %arg10[%dma_wait3A_799, %dma_wait3A_800, %dma_wait3A_801] : memref<4x128x128xf32, #tpu.memory_space<vmem>> -> memref<1x128x128xf32, #tpu.memory_space<vmem>>
    %dma_wait3A_803 = tpu.memref_squeeze %dma_wait3A_802 : memref<1x128x128xf32, #tpu.memory_space<vmem>> -> memref<128x128xf32, #tpu.memory_space<vmem>>
    %dma_wait3A_804 = arith.constant 0 : i32
    %dma_wait3A_805 = tpu.memref_slice %arg9[%dma_wait3A_798, %dma_wait3A_804] : memref<4x128xi32, #tpu.memory_space<vmem>> -> memref<1x128xi32, #tpu.memory_space<vmem>>
    %dma_wait3A_806 = tpu.memref_squeeze %dma_wait3A_805 : memref<1x128xi32, #tpu.memory_space<vmem>> -> memref<128xi32, #tpu.memory_space<vmem>>
    %dma_wait3A_807 = arith.constant 0 : i32
    %dma_wait3A_808 = arith.constant 0 : i32
    %dma_wait3A_809 = tpu.memref_slice %arg6[%dma_wait3A_807, %dma_wait3A_808] : memref<121x128xf32, #tpu.memory_space<vmem_shared>> -> memref<121x128xf32, #tpu.memory_space<vmem_shared>>
    tpu.wait_indirect_dma semaphore(%arg16 : memref<!tpu.dma_semaphore, #tpu.memory_space<semaphore_mem>>) src(%dma_wait3A_809 : memref<121x128xf32, #tpu.memory_space<vmem_shared>>) dst(%dma_wait3A_803 : memref<128x128xf32, #tpu.memory_space<vmem>>)
    %add3A_810 = arith.constant 3 : i32
    %add3A_811 = arith.addi %mul3A_2, %add3A_810 : i32
    %dma_start3A_812 = arith.constant 3 : i32
    %dma_start3A_813 = arith.constant 0 : i32
    %dma_start3A_814 = arith.constant 0 : i32
    %dma_start3A_815 = tpu.memref_slice %arg10[%dma_start3A_812, %dma_start3A_813, %dma_start3A_814] : memref<4x128x128xf32, #tpu.memory_space<vmem>> -> memref<1x128x128xf32, #tpu.memory_space<vmem>>
    %dma_start3A_816 = tpu.memref_squeeze %dma_start3A_815 : memref<1x128x128xf32, #tpu.memory_space<vmem>> -> memref<128x128xf32, #tpu.memory_space<vmem>>
    %dma_start3A_817 = arith.constant 0 : i32
    %dma_start3A_818 = arith.constant 0 : i32
    %dma_start3A_819 = tpu.memref_slice %arg5[%add3A_811, %dma_start3A_817, %dma_start3A_818] : memref<128x128x128xf32, #tpu.memory_space<hbm>> -> memref<1x128x128xf32, #tpu.memory_space<hbm>>
    %dma_start3A_820 = tpu.memref_squeeze %dma_start3A_819 : memref<1x128x128xf32, #tpu.memory_space<hbm>> -> memref<128x128xf32, #tpu.memory_space<hbm>>
    %dma_start3A_821 = arith.constant 0 : i32
    %dma_start3A_822 = arith.constant 0 : i32
    %dma_start3A_823 = tpu.memref_slice %arg5[%add3A_811, %dma_start3A_821, %dma_start3A_822] : memref<128x128x128xf32, #tpu.memory_space<hbm>> -> memref<1x128x128xf32, #tpu.memory_space<hbm>>
    %dma_start3A_824 = tpu.memref_squeeze %dma_start3A_823 : memref<1x128x128xf32, #tpu.memory_space<hbm>> -> memref<128x128xf32, #tpu.memory_space<hbm>>
    %dma_start3A_825 = arith.constant 0 : i32
    %dma_start3A_826 = arith.constant 0 : i32
    %dma_start3A_827 = tpu.memref_slice %arg10[%dma_start3A_812, %dma_start3A_825, %dma_start3A_826] : memref<4x128x128xf32, #tpu.memory_space<vmem>> -> memref<1x128x128xf32, #tpu.memory_space<vmem>>
    %dma_start3A_828 = tpu.memref_squeeze %dma_start3A_827 : memref<1x128x128xf32, #tpu.memory_space<vmem>> -> memref<128x128xf32, #tpu.memory_space<vmem>>
    tpu.enqueue_dma source(%dma_start3A_828 : memref<128x128xf32, #tpu.memory_space<vmem>>) target(%dma_start3A_824 : memref<128x128xf32, #tpu.memory_space<hbm>>) target_semaphore(%arg12 : memref<!tpu.dma_semaphore, #tpu.memory_space<semaphore_mem>>)
    %dma_wait3A_829 = arith.constant 0 : i32
    %dma_wait3A_830 = arith.constant 0 : i32
    %dma_wait3A_831 = arith.constant 0 : i32
    %dma_wait3A_832 = tpu.memref_slice %arg10[%dma_wait3A_829, %dma_wait3A_830, %dma_wait3A_831] : memref<4x128x128xf32, #tpu.memory_space<vmem>> -> memref<1x128x128xf32, #tpu.memory_space<vmem>>
    %dma_wait3A_833 = tpu.memref_squeeze %dma_wait3A_832 : memref<1x128x128xf32, #tpu.memory_space<vmem>> -> memref<128x128xf32, #tpu.memory_space<vmem>>
    %dma_wait3A_834 = arith.constant 0 : i32
    %dma_wait3A_835 = arith.constant 0 : i32
    %dma_wait3A_836 = tpu.memref_slice %arg5[%add3A_718, %dma_wait3A_834, %dma_wait3A_835] : memref<128x128x128xf32, #tpu.memory_space<hbm>> -> memref<1x128x128xf32, #tpu.memory_space<hbm>>
    %dma_wait3A_837 = tpu.memref_squeeze %dma_wait3A_836 : memref<1x128x128xf32, #tpu.memory_space<hbm>> -> memref<128x128xf32, #tpu.memory_space<hbm>>
    %dma_wait3A_838 = arith.constant 0 : i32
    %dma_wait3A_839 = arith.constant 0 : i32
    %dma_wait3A_840 = tpu.memref_slice %arg5[%add3A_718, %dma_wait3A_838, %dma_wait3A_839] : memref<128x128x128xf32, #tpu.memory_space<hbm>> -> memref<1x128x128xf32, #tpu.memory_space<hbm>>
    %dma_wait3A_841 = tpu.memref_squeeze %dma_wait3A_840 : memref<1x128x128xf32, #tpu.memory_space<hbm>> -> memref<128x128xf32, #tpu.memory_space<hbm>>
    %dma_wait3A_842 = arith.constant 0 : i32
    %dma_wait3A_843 = arith.constant 0 : i32
    %dma_wait3A_844 = tpu.memref_slice %arg10[%dma_wait3A_829, %dma_wait3A_842, %dma_wait3A_843] : memref<4x128x128xf32, #tpu.memory_space<vmem>> -> memref<1x128x128xf32, #tpu.memory_space<vmem>>
    %dma_wait3A_845 = tpu.memref_squeeze %dma_wait3A_844 : memref<1x128x128xf32, #tpu.memory_space<vmem>> -> memref<128x128xf32, #tpu.memory_space<vmem>>
    tpu.wait_dma2 semaphore(%arg12 : memref<!tpu.dma_semaphore, #tpu.memory_space<semaphore_mem>>) src(%dma_wait3A_845 : memref<128x128xf32, #tpu.memory_space<vmem>>) dst(%dma_wait3A_841 : memref<128x128xf32, #tpu.memory_space<hbm>>)
    %dma_wait3A_846 = arith.constant 1 : i32
    %dma_wait3A_847 = arith.constant 0 : i32
    %dma_wait3A_848 = arith.constant 0 : i32
    %dma_wait3A_849 = tpu.memref_slice %arg10[%dma_wait3A_846, %dma_wait3A_847, %dma_wait3A_848] : memref<4x128x128xf32, #tpu.memory_space<vmem>> -> memref<1x128x128xf32, #tpu.memory_space<vmem>>
    %dma_wait3A_850 = tpu.memref_squeeze %dma_wait3A_849 : memref<1x128x128xf32, #tpu.memory_space<vmem>> -> memref<128x128xf32, #tpu.memory_space<vmem>>
    %dma_wait3A_851 = arith.constant 0 : i32
    %dma_wait3A_852 = arith.constant 0 : i32
    %dma_wait3A_853 = tpu.memref_slice %arg5[%add3A_749, %dma_wait3A_851, %dma_wait3A_852] : memref<128x128x128xf32, #tpu.memory_space<hbm>> -> memref<1x128x128xf32, #tpu.memory_space<hbm>>
    %dma_wait3A_854 = tpu.memref_squeeze %dma_wait3A_853 : memref<1x128x128xf32, #tpu.memory_space<hbm>> -> memref<128x128xf32, #tpu.memory_space<hbm>>
    %dma_wait3A_855 = arith.constant 0 : i32
    %dma_wait3A_856 = arith.constant 0 : i32
    %dma_wait3A_857 = tpu.memref_slice %arg5[%add3A_749, %dma_wait3A_855, %dma_wait3A_856] : memref<128x128x128xf32, #tpu.memory_space<hbm>> -> memref<1x128x128xf32, #tpu.memory_space<hbm>>
    %dma_wait3A_858 = tpu.memref_squeeze %dma_wait3A_857 : memref<1x128x128xf32, #tpu.memory_space<hbm>> -> memref<128x128xf32, #tpu.memory_space<hbm>>
    %dma_wait3A_859 = arith.constant 0 : i32
    %dma_wait3A_860 = arith.constant 0 : i32
    %dma_wait3A_861 = tpu.memref_slice %arg10[%dma_wait3A_846, %dma_wait3A_859, %dma_wait3A_860] : memref<4x128x128xf32, #tpu.memory_space<vmem>> -> memref<1x128x128xf32, #tpu.memory_space<vmem>>
    %dma_wait3A_862 = tpu.memref_squeeze %dma_wait3A_861 : memref<1x128x128xf32, #tpu.memory_space<vmem>> -> memref<128x128xf32, #tpu.memory_space<vmem>>
    tpu.wait_dma2 semaphore(%arg12 : memref<!tpu.dma_semaphore, #tpu.memory_space<semaphore_mem>>) src(%dma_wait3A_862 : memref<128x128xf32, #tpu.memory_space<vmem>>) dst(%dma_wait3A_858 : memref<128x128xf32, #tpu.memory_space<hbm>>)
    %dma_wait3A_863 = arith.constant 2 : i32
    %dma_wait3A_864 = arith.constant 0 : i32
    %dma_wait3A_865 = arith.constant 0 : i32
    %dma_wait3A_866 = tpu.memref_slice %arg10[%dma_wait3A_863, %dma_wait3A_864, %dma_wait3A_865] : memref<4x128x128xf32, #tpu.memory_space<vmem>> -> memref<1x128x128xf32, #tpu.memory_space<vmem>>
    %dma_wait3A_867 = tpu.memref_squeeze %dma_wait3A_866 : memref<1x128x128xf32, #tpu.memory_space<vmem>> -> memref<128x128xf32, #tpu.memory_space<vmem>>
    %dma_wait3A_868 = arith.constant 0 : i32
    %dma_wait3A_869 = arith.constant 0 : i32
    %dma_wait3A_870 = tpu.memref_slice %arg5[%add3A_780, %dma_wait3A_868, %dma_wait3A_869] : memref<128x128x128xf32, #tpu.memory_space<hbm>> -> memref<1x128x128xf32, #tpu.memory_space<hbm>>
    %dma_wait3A_871 = tpu.memref_squeeze %dma_wait3A_870 : memref<1x128x128xf32, #tpu.memory_space<hbm>> -> memref<128x128xf32, #tpu.memory_space<hbm>>
    %dma_wait3A_872 = arith.constant 0 : i32
    %dma_wait3A_873 = arith.constant 0 : i32
    %dma_wait3A_874 = tpu.memref_slice %arg5[%add3A_780, %dma_wait3A_872, %dma_wait3A_873] : memref<128x128x128xf32, #tpu.memory_space<hbm>> -> memref<1x128x128xf32, #tpu.memory_space<hbm>>
    %dma_wait3A_875 = tpu.memref_squeeze %dma_wait3A_874 : memref<1x128x128xf32, #tpu.memory_space<hbm>> -> memref<128x128xf32, #tpu.memory_space<hbm>>
    %dma_wait3A_876 = arith.constant 0 : i32
    %dma_wait3A_877 = arith.constant 0 : i32
    %dma_wait3A_878 = tpu.memref_slice %arg10[%dma_wait3A_863, %dma_wait3A_876, %dma_wait3A_877] : memref<4x128x128xf32, #tpu.memory_space<vmem>> -> memref<1x128x128xf32, #tpu.memory_space<vmem>>
    %dma_wait3A_879 = tpu.memref_squeeze %dma_wait3A_878 : memref<1x128x128xf32, #tpu.memory_space<vmem>> -> memref<128x128xf32, #tpu.memory_space<vmem>>
    tpu.wait_dma2 semaphore(%arg12 : memref<!tpu.dma_semaphore, #tpu.memory_space<semaphore_mem>>) src(%dma_wait3A_879 : memref<128x128xf32, #tpu.memory_space<vmem>>) dst(%dma_wait3A_875 : memref<128x128xf32, #tpu.memory_space<hbm>>)
    %dma_wait3A_880 = arith.constant 3 : i32
    %dma_wait3A_881 = arith.constant 0 : i32
    %dma_wait3A_882 = arith.constant 0 : i32
    %dma_wait3A_883 = tpu.memref_slice %arg10[%dma_wait3A_880, %dma_wait3A_881, %dma_wait3A_882] : memref<4x128x128xf32, #tpu.memory_space<vmem>> -> memref<1x128x128xf32, #tpu.memory_space<vmem>>
    %dma_wait3A_884 = tpu.memref_squeeze %dma_wait3A_883 : memref<1x128x128xf32, #tpu.memory_space<vmem>> -> memref<128x128xf32, #tpu.memory_space<vmem>>
    %dma_wait3A_885 = arith.constant 0 : i32
    %dma_wait3A_886 = arith.constant 0 : i32
    %dma_wait3A_887 = tpu.memref_slice %arg5[%add3A_811, %dma_wait3A_885, %dma_wait3A_886] : memref<128x128x128xf32, #tpu.memory_space<hbm>> -> memref<1x128x128xf32, #tpu.memory_space<hbm>>
    %dma_wait3A_888 = tpu.memref_squeeze %dma_wait3A_887 : memref<1x128x128xf32, #tpu.memory_space<hbm>> -> memref<128x128xf32, #tpu.memory_space<hbm>>
    %dma_wait3A_889 = arith.constant 0 : i32
    %dma_wait3A_890 = arith.constant 0 : i32
    %dma_wait3A_891 = tpu.memref_slice %arg5[%add3A_811, %dma_wait3A_889, %dma_wait3A_890] : memref<128x128x128xf32, #tpu.memory_space<hbm>> -> memref<1x128x128xf32, #tpu.memory_space<hbm>>
    %dma_wait3A_892 = tpu.memref_squeeze %dma_wait3A_891 : memref<1x128x128xf32, #tpu.memory_space<hbm>> -> memref<128x128xf32, #tpu.memory_space<hbm>>
    %dma_wait3A_893 = arith.constant 0 : i32
    %dma_wait3A_894 = arith.constant 0 : i32
    %dma_wait3A_895 = tpu.memref_slice %arg10[%dma_wait3A_880, %dma_wait3A_893, %dma_wait3A_894] : memref<4x128x128xf32, #tpu.memory_space<vmem>> -> memref<1x128x128xf32, #tpu.memory_space<vmem>>
    %dma_wait3A_896 = tpu.memref_squeeze %dma_wait3A_895 : memref<1x128x128xf32, #tpu.memory_space<vmem>> -> memref<128x128xf32, #tpu.memory_space<vmem>>
    tpu.wait_dma2 semaphore(%arg12 : memref<!tpu.dma_semaphore, #tpu.memory_space<semaphore_mem>>) src(%dma_wait3A_896 : memref<128x128xf32, #tpu.memory_space<vmem>>) dst(%dma_wait3A_892 : memref<128x128xf32, #tpu.memory_space<hbm>>)
    return
  }
}

module attributes {stable_mosaic.version = 14 : i64} {
  func.func @_table_body(%arg0: memref<11x64xf32, #tpu.memory_space<vmem>>, %arg1: memref<11x64xf32, #tpu.memory_space<vmem>>, %arg2: memref<121x128xf32, #tpu.memory_space<vmem>>) attributes {dimension_semantics = [], scalar_prefetch = 0 : i64, scratch_operands = 0 : i64, tpu.core_type = #tpu.core_type<tc>} {
    %get3A = arith.constant 0 : index
    %get3A_0 = arith.constant 0 : index
    %get3A_1 = vector.load %arg0[%get3A, %get3A_0] : memref<11x64xf32, #tpu.memory_space<vmem>>, vector<1x64xf32>
    %broadcast_in_dim3A = vector.shape_cast %get3A_1 : vector<1x64xf32> to vector<1x64xf32>
    %broadcast_in_dim3A_2 = vector.broadcast %broadcast_in_dim3A : vector<1x64xf32> to vector<11x64xf32>
    %swap3A = arith.constant 0 : index
    %swap3A_3 = arith.constant 0 : index
    %swap3A_4 = vector.load %arg2[%swap3A, %swap3A_3] : memref<121x128xf32, #tpu.memory_space<vmem>>, vector<11x64xf32>
    tpu.vector_store %arg2[%swap3A, %swap3A_3], %broadcast_in_dim3A_2 {strides = array<i32>} : memref<121x128xf32, #tpu.memory_space<vmem>>, vector<11x64xf32>,
    %get3A_5 = arith.constant 0 : index
    %get3A_6 = arith.constant 0 : index
    %get3A_7 = vector.load %arg1[%get3A_5, %get3A_6] : memref<11x64xf32, #tpu.memory_space<vmem>>, vector<11x64xf32>
    %swap3A_8 = arith.constant 0 : index
    %swap3A_9 = arith.constant 64 : index
    %swap3A_10 = vector.load %arg2[%swap3A_8, %swap3A_9] : memref<121x128xf32, #tpu.memory_space<vmem>>, vector<11x64xf32>
    tpu.vector_store %arg2[%swap3A_8, %swap3A_9], %get3A_7 {strides = array<i32>} : memref<121x128xf32, #tpu.memory_space<vmem>>, vector<11x64xf32>,
    %get3A_11 = arith.constant 1 : index
    %get3A_12 = arith.constant 0 : index
    %get3A_13 = vector.load %arg0[%get3A_11, %get3A_12] : memref<11x64xf32, #tpu.memory_space<vmem>>, vector<1x64xf32>
    %broadcast_in_dim3A_14 = vector.shape_cast %get3A_13 : vector<1x64xf32> to vector<1x64xf32>
    %broadcast_in_dim3A_15 = vector.broadcast %broadcast_in_dim3A_14 : vector<1x64xf32> to vector<11x64xf32>
    %swap3A_16 = arith.constant 11 : index
    %swap3A_17 = arith.constant 0 : index
    %swap3A_18 = vector.load %arg2[%swap3A_16, %swap3A_17] : memref<121x128xf32, #tpu.memory_space<vmem>>, vector<11x64xf32>
    tpu.vector_store %arg2[%swap3A_16, %swap3A_17], %broadcast_in_dim3A_15 {strides = array<i32>} : memref<121x128xf32, #tpu.memory_space<vmem>>, vector<11x64xf32>,
    %get3A_19 = arith.constant 0 : index
    %get3A_20 = arith.constant 0 : index
    %get3A_21 = vector.load %arg1[%get3A_19, %get3A_20] : memref<11x64xf32, #tpu.memory_space<vmem>>, vector<11x64xf32>
    %swap3A_22 = arith.constant 11 : index
    %swap3A_23 = arith.constant 64 : index
    %swap3A_24 = vector.load %arg2[%swap3A_22, %swap3A_23] : memref<121x128xf32, #tpu.memory_space<vmem>>, vector<11x64xf32>
    tpu.vector_store %arg2[%swap3A_22, %swap3A_23], %get3A_21 {strides = array<i32>} : memref<121x128xf32, #tpu.memory_space<vmem>>, vector<11x64xf32>,
    %get3A_25 = arith.constant 2 : index
    %get3A_26 = arith.constant 0 : index
    %get3A_27 = vector.load %arg0[%get3A_25, %get3A_26] : memref<11x64xf32, #tpu.memory_space<vmem>>, vector<1x64xf32>
    %broadcast_in_dim3A_28 = vector.shape_cast %get3A_27 : vector<1x64xf32> to vector<1x64xf32>
    %broadcast_in_dim3A_29 = vector.broadcast %broadcast_in_dim3A_28 : vector<1x64xf32> to vector<11x64xf32>
    %swap3A_30 = arith.constant 22 : index
    %swap3A_31 = arith.constant 0 : index
    %swap3A_32 = vector.load %arg2[%swap3A_30, %swap3A_31] : memref<121x128xf32, #tpu.memory_space<vmem>>, vector<11x64xf32>
    tpu.vector_store %arg2[%swap3A_30, %swap3A_31], %broadcast_in_dim3A_29 {strides = array<i32>} : memref<121x128xf32, #tpu.memory_space<vmem>>, vector<11x64xf32>,
    %get3A_33 = arith.constant 0 : index
    %get3A_34 = arith.constant 0 : index
    %get3A_35 = vector.load %arg1[%get3A_33, %get3A_34] : memref<11x64xf32, #tpu.memory_space<vmem>>, vector<11x64xf32>
    %swap3A_36 = arith.constant 22 : index
    %swap3A_37 = arith.constant 64 : index
    %swap3A_38 = vector.load %arg2[%swap3A_36, %swap3A_37] : memref<121x128xf32, #tpu.memory_space<vmem>>, vector<11x64xf32>
    tpu.vector_store %arg2[%swap3A_36, %swap3A_37], %get3A_35 {strides = array<i32>} : memref<121x128xf32, #tpu.memory_space<vmem>>, vector<11x64xf32>,
    %get3A_39 = arith.constant 3 : index
    %get3A_40 = arith.constant 0 : index
    %get3A_41 = vector.load %arg0[%get3A_39, %get3A_40] : memref<11x64xf32, #tpu.memory_space<vmem>>, vector<1x64xf32>
    %broadcast_in_dim3A_42 = vector.shape_cast %get3A_41 : vector<1x64xf32> to vector<1x64xf32>
    %broadcast_in_dim3A_43 = vector.broadcast %broadcast_in_dim3A_42 : vector<1x64xf32> to vector<11x64xf32>
    %swap3A_44 = arith.constant 33 : index
    %swap3A_45 = arith.constant 0 : index
    %swap3A_46 = vector.load %arg2[%swap3A_44, %swap3A_45] : memref<121x128xf32, #tpu.memory_space<vmem>>, vector<11x64xf32>
    tpu.vector_store %arg2[%swap3A_44, %swap3A_45], %broadcast_in_dim3A_43 {strides = array<i32>} : memref<121x128xf32, #tpu.memory_space<vmem>>, vector<11x64xf32>,
    %get3A_47 = arith.constant 0 : index
    %get3A_48 = arith.constant 0 : index
    %get3A_49 = vector.load %arg1[%get3A_47, %get3A_48] : memref<11x64xf32, #tpu.memory_space<vmem>>, vector<11x64xf32>
    %swap3A_50 = arith.constant 33 : index
    %swap3A_51 = arith.constant 64 : index
    %swap3A_52 = vector.load %arg2[%swap3A_50, %swap3A_51] : memref<121x128xf32, #tpu.memory_space<vmem>>, vector<11x64xf32>
    tpu.vector_store %arg2[%swap3A_50, %swap3A_51], %get3A_49 {strides = array<i32>} : memref<121x128xf32, #tpu.memory_space<vmem>>, vector<11x64xf32>,
    %get3A_53 = arith.constant 4 : index
    %get3A_54 = arith.constant 0 : index
    %get3A_55 = vector.load %arg0[%get3A_53, %get3A_54] : memref<11x64xf32, #tpu.memory_space<vmem>>, vector<1x64xf32>
    %broadcast_in_dim3A_56 = vector.shape_cast %get3A_55 : vector<1x64xf32> to vector<1x64xf32>
    %broadcast_in_dim3A_57 = vector.broadcast %broadcast_in_dim3A_56 : vector<1x64xf32> to vector<11x64xf32>
    %swap3A_58 = arith.constant 44 : index
    %swap3A_59 = arith.constant 0 : index
    %swap3A_60 = vector.load %arg2[%swap3A_58, %swap3A_59] : memref<121x128xf32, #tpu.memory_space<vmem>>, vector<11x64xf32>
    tpu.vector_store %arg2[%swap3A_58, %swap3A_59], %broadcast_in_dim3A_57 {strides = array<i32>} : memref<121x128xf32, #tpu.memory_space<vmem>>, vector<11x64xf32>,
    %get3A_61 = arith.constant 0 : index
    %get3A_62 = arith.constant 0 : index
    %get3A_63 = vector.load %arg1[%get3A_61, %get3A_62] : memref<11x64xf32, #tpu.memory_space<vmem>>, vector<11x64xf32>
    %swap3A_64 = arith.constant 44 : index
    %swap3A_65 = arith.constant 64 : index
    %swap3A_66 = vector.load %arg2[%swap3A_64, %swap3A_65] : memref<121x128xf32, #tpu.memory_space<vmem>>, vector<11x64xf32>
    tpu.vector_store %arg2[%swap3A_64, %swap3A_65], %get3A_63 {strides = array<i32>} : memref<121x128xf32, #tpu.memory_space<vmem>>, vector<11x64xf32>,
    %get3A_67 = arith.constant 5 : index
    %get3A_68 = arith.constant 0 : index
    %get3A_69 = vector.load %arg0[%get3A_67, %get3A_68] : memref<11x64xf32, #tpu.memory_space<vmem>>, vector<1x64xf32>
    %broadcast_in_dim3A_70 = vector.shape_cast %get3A_69 : vector<1x64xf32> to vector<1x64xf32>
    %broadcast_in_dim3A_71 = vector.broadcast %broadcast_in_dim3A_70 : vector<1x64xf32> to vector<11x64xf32>
    %swap3A_72 = arith.constant 55 : index
    %swap3A_73 = arith.constant 0 : index
    %swap3A_74 = vector.load %arg2[%swap3A_72, %swap3A_73] : memref<121x128xf32, #tpu.memory_space<vmem>>, vector<11x64xf32>
    tpu.vector_store %arg2[%swap3A_72, %swap3A_73], %broadcast_in_dim3A_71 {strides = array<i32>} : memref<121x128xf32, #tpu.memory_space<vmem>>, vector<11x64xf32>,
    %get3A_75 = arith.constant 0 : index
    %get3A_76 = arith.constant 0 : index
    %get3A_77 = vector.load %arg1[%get3A_75, %get3A_76] : memref<11x64xf32, #tpu.memory_space<vmem>>, vector<11x64xf32>
    %swap3A_78 = arith.constant 55 : index
    %swap3A_79 = arith.constant 64 : index
    %swap3A_80 = vector.load %arg2[%swap3A_78, %swap3A_79] : memref<121x128xf32, #tpu.memory_space<vmem>>, vector<11x64xf32>
    tpu.vector_store %arg2[%swap3A_78, %swap3A_79], %get3A_77 {strides = array<i32>} : memref<121x128xf32, #tpu.memory_space<vmem>>, vector<11x64xf32>,
    %get3A_81 = arith.constant 6 : index
    %get3A_82 = arith.constant 0 : index
    %get3A_83 = vector.load %arg0[%get3A_81, %get3A_82] : memref<11x64xf32, #tpu.memory_space<vmem>>, vector<1x64xf32>
    %broadcast_in_dim3A_84 = vector.shape_cast %get3A_83 : vector<1x64xf32> to vector<1x64xf32>
    %broadcast_in_dim3A_85 = vector.broadcast %broadcast_in_dim3A_84 : vector<1x64xf32> to vector<11x64xf32>
    %swap3A_86 = arith.constant 66 : index
    %swap3A_87 = arith.constant 0 : index
    %swap3A_88 = vector.load %arg2[%swap3A_86, %swap3A_87] : memref<121x128xf32, #tpu.memory_space<vmem>>, vector<11x64xf32>
    tpu.vector_store %arg2[%swap3A_86, %swap3A_87], %broadcast_in_dim3A_85 {strides = array<i32>} : memref<121x128xf32, #tpu.memory_space<vmem>>, vector<11x64xf32>,
    %get3A_89 = arith.constant 0 : index
    %get3A_90 = arith.constant 0 : index
    %get3A_91 = vector.load %arg1[%get3A_89, %get3A_90] : memref<11x64xf32, #tpu.memory_space<vmem>>, vector<11x64xf32>
    %swap3A_92 = arith.constant 66 : index
    %swap3A_93 = arith.constant 64 : index
    %swap3A_94 = vector.load %arg2[%swap3A_92, %swap3A_93] : memref<121x128xf32, #tpu.memory_space<vmem>>, vector<11x64xf32>
    tpu.vector_store %arg2[%swap3A_92, %swap3A_93], %get3A_91 {strides = array<i32>} : memref<121x128xf32, #tpu.memory_space<vmem>>, vector<11x64xf32>,
    %get3A_95 = arith.constant 7 : index
    %get3A_96 = arith.constant 0 : index
    %get3A_97 = vector.load %arg0[%get3A_95, %get3A_96] : memref<11x64xf32, #tpu.memory_space<vmem>>, vector<1x64xf32>
    %broadcast_in_dim3A_98 = vector.shape_cast %get3A_97 : vector<1x64xf32> to vector<1x64xf32>
    %broadcast_in_dim3A_99 = vector.broadcast %broadcast_in_dim3A_98 : vector<1x64xf32> to vector<11x64xf32>
    %swap3A_100 = arith.constant 77 : index
    %swap3A_101 = arith.constant 0 : index
    %swap3A_102 = vector.load %arg2[%swap3A_100, %swap3A_101] : memref<121x128xf32, #tpu.memory_space<vmem>>, vector<11x64xf32>
    tpu.vector_store %arg2[%swap3A_100, %swap3A_101], %broadcast_in_dim3A_99 {strides = array<i32>} : memref<121x128xf32, #tpu.memory_space<vmem>>, vector<11x64xf32>,
    %get3A_103 = arith.constant 0 : index
    %get3A_104 = arith.constant 0 : index
    %get3A_105 = vector.load %arg1[%get3A_103, %get3A_104] : memref<11x64xf32, #tpu.memory_space<vmem>>, vector<11x64xf32>
    %swap3A_106 = arith.constant 77 : index
    %swap3A_107 = arith.constant 64 : index
    %swap3A_108 = vector.load %arg2[%swap3A_106, %swap3A_107] : memref<121x128xf32, #tpu.memory_space<vmem>>, vector<11x64xf32>
    tpu.vector_store %arg2[%swap3A_106, %swap3A_107], %get3A_105 {strides = array<i32>} : memref<121x128xf32, #tpu.memory_space<vmem>>, vector<11x64xf32>,
    %get3A_109 = arith.constant 8 : index
    %get3A_110 = arith.constant 0 : index
    %get3A_111 = vector.load %arg0[%get3A_109, %get3A_110] : memref<11x64xf32, #tpu.memory_space<vmem>>, vector<1x64xf32>
    %broadcast_in_dim3A_112 = vector.shape_cast %get3A_111 : vector<1x64xf32> to vector<1x64xf32>
    %broadcast_in_dim3A_113 = vector.broadcast %broadcast_in_dim3A_112 : vector<1x64xf32> to vector<11x64xf32>
    %swap3A_114 = arith.constant 88 : index
    %swap3A_115 = arith.constant 0 : index
    %swap3A_116 = vector.load %arg2[%swap3A_114, %swap3A_115] : memref<121x128xf32, #tpu.memory_space<vmem>>, vector<11x64xf32>
    tpu.vector_store %arg2[%swap3A_114, %swap3A_115], %broadcast_in_dim3A_113 {strides = array<i32>} : memref<121x128xf32, #tpu.memory_space<vmem>>, vector<11x64xf32>,
    %get3A_117 = arith.constant 0 : index
    %get3A_118 = arith.constant 0 : index
    %get3A_119 = vector.load %arg1[%get3A_117, %get3A_118] : memref<11x64xf32, #tpu.memory_space<vmem>>, vector<11x64xf32>
    %swap3A_120 = arith.constant 88 : index
    %swap3A_121 = arith.constant 64 : index
    %swap3A_122 = vector.load %arg2[%swap3A_120, %swap3A_121] : memref<121x128xf32, #tpu.memory_space<vmem>>, vector<11x64xf32>
    tpu.vector_store %arg2[%swap3A_120, %swap3A_121], %get3A_119 {strides = array<i32>} : memref<121x128xf32, #tpu.memory_space<vmem>>, vector<11x64xf32>,
    %get3A_123 = arith.constant 9 : index
    %get3A_124 = arith.constant 0 : index
    %get3A_125 = vector.load %arg0[%get3A_123, %get3A_124] : memref<11x64xf32, #tpu.memory_space<vmem>>, vector<1x64xf32>
    %broadcast_in_dim3A_126 = vector.shape_cast %get3A_125 : vector<1x64xf32> to vector<1x64xf32>
    %broadcast_in_dim3A_127 = vector.broadcast %broadcast_in_dim3A_126 : vector<1x64xf32> to vector<11x64xf32>
    %swap3A_128 = arith.constant 99 : index
    %swap3A_129 = arith.constant 0 : index
    %swap3A_130 = vector.load %arg2[%swap3A_128, %swap3A_129] : memref<121x128xf32, #tpu.memory_space<vmem>>, vector<11x64xf32>
    tpu.vector_store %arg2[%swap3A_128, %swap3A_129], %broadcast_in_dim3A_127 {strides = array<i32>} : memref<121x128xf32, #tpu.memory_space<vmem>>, vector<11x64xf32>,
    %get3A_131 = arith.constant 0 : index
    %get3A_132 = arith.constant 0 : index
    %get3A_133 = vector.load %arg1[%get3A_131, %get3A_132] : memref<11x64xf32, #tpu.memory_space<vmem>>, vector<11x64xf32>
    %swap3A_134 = arith.constant 99 : index
    %swap3A_135 = arith.constant 64 : index
    %swap3A_136 = vector.load %arg2[%swap3A_134, %swap3A_135] : memref<121x128xf32, #tpu.memory_space<vmem>>, vector<11x64xf32>
    tpu.vector_store %arg2[%swap3A_134, %swap3A_135], %get3A_133 {strides = array<i32>} : memref<121x128xf32, #tpu.memory_space<vmem>>, vector<11x64xf32>,
    %get3A_137 = arith.constant 10 : index
    %get3A_138 = arith.constant 0 : index
    %get3A_139 = vector.load %arg0[%get3A_137, %get3A_138] : memref<11x64xf32, #tpu.memory_space<vmem>>, vector<1x64xf32>
    %broadcast_in_dim3A_140 = vector.shape_cast %get3A_139 : vector<1x64xf32> to vector<1x64xf32>
    %broadcast_in_dim3A_141 = vector.broadcast %broadcast_in_dim3A_140 : vector<1x64xf32> to vector<11x64xf32>
    %swap3A_142 = arith.constant 110 : index
    %swap3A_143 = arith.constant 0 : index
    %swap3A_144 = vector.load %arg2[%swap3A_142, %swap3A_143] : memref<121x128xf32, #tpu.memory_space<vmem>>, vector<11x64xf32>
    tpu.vector_store %arg2[%swap3A_142, %swap3A_143], %broadcast_in_dim3A_141 {strides = array<i32>} : memref<121x128xf32, #tpu.memory_space<vmem>>, vector<11x64xf32>,
    %get3A_145 = arith.constant 0 : index
    %get3A_146 = arith.constant 0 : index
    %get3A_147 = vector.load %arg1[%get3A_145, %get3A_146] : memref<11x64xf32, #tpu.memory_space<vmem>>, vector<11x64xf32>
    %swap3A_148 = arith.constant 110 : index
    %swap3A_149 = arith.constant 64 : index
    %swap3A_150 = vector.load %arg2[%swap3A_148, %swap3A_149] : memref<121x128xf32, #tpu.memory_space<vmem>>, vector<11x64xf32>
    tpu.vector_store %arg2[%swap3A_148, %swap3A_149], %get3A_147 {strides = array<i32>} : memref<121x128xf32, #tpu.memory_space<vmem>>, vector<11x64xf32>,
    return
  }
}

</mosaic_0001>

<sc_bundles>
// kernel: kernel.4.cloned.1.call-start
scs
__scs_entry_jumppad:
0x0: {  	(pc) =	sbr.rel $0x88, $3  }
0x1: {  	(tag) =	ssettag $0x0;
	lr =	simm.s32 $0x1  }
0x2: {  	[smem:$0x3F9D] =	sst lr;
	_ =	strace $0xD0000000  }
0x3: {  	_ = 	snop  }
0x4: {  	_ = 	snop  }
0x5: {  	_ = 	snop  }
0x6: {  	_ = 	snop  }
0x7: {  	_ = 	snop  }
__scs_overlays_trampoline_lowered:
0x8: {  	[smem:$0x3FAC] =	sst s0  }
0x9: {  	[smem:$0x3FAD] =	sst s1  }
0xa: {  	[smem:$0x3FAE] =	sst s2  }
0xb: {  	[smem:$0x3FAF] =	sst s3  }
0xc: {  	[smem:$0x3FB0] =	sst s4  }
0xd: {  	[smem:$0x3FB1] =	sst s5  }
0xe: {  	[smem:$0x3FB2] =	sst s6  }
0xf: {  	[smem:$0x3FB3] =	sst s7  }
0x10: {  	[smem:$0x3FB4] =	sst s8  }
0x11: {  	[smem:$0x3FB5] =	sst s9;
	s0 =	simm.s32 @!p0 $0x0  }
0x12: {  	s1 =	sld [smem:$0x3F9B];
	s0 =	simm.s32 @p0 $0x1  }
0x13: {  	[smem:$0x3FB6] =	sst s0;
	s0 =	simm.s32 @!p1 $0x0  }
0x14: {  	s2 =	sld [smem:$0x3F9A];
	s0 =	simm.s32 @p1 $0x1  }
0x15: {  	[smem:$0x3FB7] =	sst s0;
	s0 =	simm.s32 @!p2 $0x0  }
0x16: {  	s3 =	sld [smem:$0x3FDB];
	s0 =	simm.s32 @p2 $0x1  }
0x17: {  	s4 =	simm.s32 $0x1BF5;
	[smem:$0x3FB9] =	sst s0  }
0x18: {  	s0 =	sld [smem:$0x3F9C];
	_ =	swait.ge [sflag:s4], $0x0  }
0x19: {  	s7 =	sld [smem:$0x3F9D]  }
0x1a: {  	s8 =	sadd.s32 $0xFFFFE003, lr  }
0x1b: {  	s9 =	sadd.s32 $0xFFFFFEF7, lr;
	s5 =	simm.s32 $0xFFFFFFFF;
	p2 =	slt.u32 s8, $0xFFFFF086  }
0x1c: {  	p1 =	slt.u32 s9, $0xF7A;
	s5 =	simm.s32 @!p2 $0x0  }
0x1d: {  	s5 =	simm.s32 @p1 $0x1;
	p0 =	seq.s32 s7, s2  }
0x1e: {  	s7 =	smul.u32 @!p0 $0xF7A, s2;
	p2 =	seq.s32 @!p0 s5, $0x0  }
0x1f: {  	s9 =	smul.u32 $0xF7A, s1;
	s8 =	simm.s32 @!p0 $0x1BF5;
	p2 =	por !p2, p0  }
0x20: {  	[sflag:s8] =	ssyncset.s32 @!p0 $0xFFFFF086;
	s6 =	sadd.s32 @!p0 s3, s7;
	s7 =	simm.s32 @!p0 $0x108  }
0x21: {  	s3 =	sadd.s32 s3, s9;
	s6 =	sadd.s32 @!p0 $0x88, s6;
	s7 =	simm.s32 @p2 $0x1082  }
0x22: {  	[simem:s7], [sflag:s8] =	dma.local @!p0 [hbm:s6], $0xF7A  }
0x23: {  	s9 =	sor.u32 $0xD0000000, s2;
	s6 =	simm.s32 $0x108;
	_ =	swait.ge @!p0 [sflag:s8], $0x0  }
0x24: {  	s3 =	sadd.s32 $0x88, s3;
	s6 =	simm.s32 @!p1 $0x1082;
	[sflag:s4] =	ssyncset.s32 $0xFFFFF086  }
0x25: {  	[simem:s6], [sflag:s4] =	dma.local [hbm:s3], $0xF7A  }
0x26: {  	[smem:$0x3F9D] =	sst s1;
	(tag) =	ssettag s2;
	_ =	strace s9  }
0x27: {  	s1 =	sld [smem:$0x3FAD]  }
0x28: {  	s2 =	sld [smem:$0x3FAE]  }
0x29: {  	s4 =	sld [smem:$0x3FB0]  }
0x2a: {  	p0 =	seq.s32 s5, $0x0;
	s5 =	sld [smem:$0x3FB1]  }
0x2b: {  	s6 =	sld [smem:$0x3FB2]  }
0x2c: {  	s7 =	sld [smem:$0x3FB3]  }
0x2d: {  	s3 =	simm.s32 $0x108;
	s8 =	sld [smem:$0x3FB4]  }
0x2e: {  	s3 =	simm.s32 @!p0 $0x1082;
	s9 =	sld [smem:$0x3FB5]  }
0x2f: {  	lr =	sadd.s32 s0, s3;
	s0 =	sld [smem:$0x3FAC]  }
0x30: {  	s3 =	sld [smem:$0x3FAF]  }
0x31: {  	[smem:$0x3FB8] =	sst s10  }
0x32: {  	s10 =	sld [smem:$0x3FB6];
	_ =	sdelay $0x3  }
0x33: {  	p0 =	seq.s32 s10, $0x1;
	s10 =	sld [smem:$0x3FB8];
	_ =	sdelay $0x3  }
0x34: {  	[smem:$0x3FB8] =	sst s10  }
0x35: {  	s10 =	sld [smem:$0x3FB7];
	_ =	sdelay $0x3  }
0x36: {  	p1 =	seq.s32 s10, $0x1;
	s10 =	sld [smem:$0x3FB8];
	_ =	sdelay $0x3  }
0x37: {  	[smem:$0x3FB8] =	sst s10  }
0x38: {  	s10 =	sld [smem:$0x3FB9]  }
0x39: {  	_ = 	snop;
	(pc) =	sbr.ind lr, $3  }
0x3a: {  	_ = 	snop  }
0x3b: {  	_ = 	snop  }
0x3c: {  	p2 =	seq.s32 s10, $0x1;
	s10 =	sld [smem:$0x3FB8]  }
0x3d: {  	_ =	shalt  }
0x3e: {  	_ =	shalt  }
0x3f: {  	_ =	shalt  }
0x40: {  	_ =	shalt  }
0x41: {  	_ =	shalt  }
0x42: {  	_ =	shalt  }
0x43: {  	_ =	shalt  }
0x44: {  	_ =	shalt  }
0x45: {  	_ =	shalt  }
0x46: {  	_ =	shalt  }
0x47: {  	_ =	shalt  }
0x48: {  	_ =	shalt  }
0x49: {  	_ =	shalt  }
0x4a: {  	_ =	shalt  }
0x4b: {  	_ =	shalt  }
0x4c: {  	_ =	shalt  }
0x4d: {  	_ =	shalt  }
0x4e: {  	_ =	shalt  }
0x4f: {  	_ =	shalt  }
0x50: {  	_ =	shalt  }
0x51: {  	_ =	shalt  }
0x52: {  	_ =	shalt  }
0x53: {  	_ =	shalt  }
0x54: {  	_ =	shalt  }
0x55: {  	_ =	shalt  }
0x56: {  	_ =	shalt  }
0x57: {  	_ =	shalt  }
0x58: {  	_ =	shalt  }
0x59: {  	_ =	shalt  }
0x5a: {  	_ =	shalt  }
0x5b: {  	_ =	shalt  }
0x5c: {  	_ =	shalt  }
0x5d: {  	_ =	shalt  }
0x5e: {  	_ =	shalt  }
0x5f: {  	_ =	shalt  }
0x60: {  	_ =	shalt  }
0x61: {  	_ =	shalt  }
0x62: {  	_ =	shalt  }
0x63: {  	_ =	shalt  }
0x64: {  	_ =	shalt  }
0x65: {  	_ =	shalt  }
0x66: {  	_ =	shalt  }
0x67: {  	_ =	shalt  }
0x68: {  	_ =	shalt  }
0x69: {  	_ =	shalt  }
0x6a: {  	_ =	shalt  }
0x6b: {  	_ =	shalt  }
0x6c: {  	_ =	shalt  }
0x6d: {  	_ =	shalt  }
0x6e: {  	_ =	shalt  }
0x6f: {  	_ =	shalt  }
0x70: {  	_ =	shalt  }
0x71: {  	_ =	shalt  }
0x72: {  	_ =	shalt  }
0x73: {  	_ =	shalt  }
0x74: {  	_ =	shalt  }
0x75: {  	_ =	shalt  }
0x76: {  	_ =	shalt  }
0x77: {  	_ =	shalt  }
0x78: {  	_ =	shalt  }
0x79: {  	_ =	shalt  }
0x7a: {  	_ =	shalt  }
0x7b: {  	_ =	shalt  }
0x7c: {  	_ =	shalt  }
0x7d: {  	_ =	shalt  }
0x7e: {  	_ =	shalt  }
0x7f: {  	_ =	shalt  }
0x80: {  	_ =	shalt  }
0x81: {  	_ =	shalt  }
0x82: {  	_ =	shalt  }
0x83: {  	_ =	shalt  }
0x84: {  	_ =	shalt  }
0x85: {  	_ =	shalt  }
0x86: {  	_ =	shalt  }
0x87: {  	_ =	shalt  }
.Lfunc_end0:
.L_simem_size_0:
called_computation_lowered:
.L_overlay_start_0:
0x88: {  	s2 =	sld [smem:$0x3FD9]  }
0x89: {  	s3 =	sld [smem:$0x3FFE];
	_ =	sdelay $0x1  }
0x8a: {  	s1 =	srdreg.scid  }
0x8b: {  	s0 =	sand.u32 $0x1, s1  }
0x8c: {  	s17 =	sshll.u32 s0, $0xA;
	s2 =	sadd.s32 s3, s2  }
0x8d: {  	s2 =	sadd.s32 s2, s17  }
0x8e: {  	[smem:$0x3FC4] =	sst s2  }
0x8f: {  	_ = 	snop  }
0x90: {  	s2 =	sld [smem:$0x3FC9]  }
0x91: {  	s18 =	sld [smem:$0x3FC8]  }
0x92: {  	s4 =	sld [smem:$0x3FD0];
	(tm) =	ssettm $0x1  }
0x93: {  	s5 =	sld [smem:$0x3FFB];
	_ =	sdelay $0x3  }
0x94: {  	_ =	strace s5  }
0x95: {  	s5 =	sld [smem:$0x3FFC];
	_ =	sdelay $0x3  }
0x96: {  	_ =	strace s5  }
0x97: {  	s5 =	sld [smem:$0x3FFD];
	_ =	sdelay $0x3  }
0x98: {  	_ =	strace s5  }
0x99: {  	_ =	strace $0x8FFFFFFF  }
0x9a: {  	s19 =	sld [smem:$0x3FDB];
	_ =	sdelay $0x1  }
0x9b: {  	s6 =	simm.s32 $_scs_section_size  }
0x9c: {  	s7 =	simm.s32 $_size__tile_overlayer_lowered;
	s8 =	simm.s32 $_tile_overlayer_lowered  }
0x9d: {  	s22 =	simm.s32 $0x1BFF;
	s21 =	sshll.u32 s8, $0x1;
	s5 =	sadd.s32 s6, s19  }
0x9e: {  	s9 =	simm.s32 $0x0;
	s20 =	sshll.u32 s7, $0x1;
	s7 =	sadd.s32 s21, s5  }
0x9f: {  	[timem:s9], [sflag:s22] =	dma.local [hbm:s7], s20  }
0xa0: {  	_ =	swait.ge [sflag:s22], s20  }
0xa1: {  	s6 =	ssub.s32 $0x0, s20;
	[sflag:s22] =	ssyncset.done $0x0  }
0xa2: {  	[sflag:s22] =	ssyncadd.s32 s6;
	_ =	sdelay $0x1  }
0xa3: {  	s23 =	simm.s32 $0x1B8B  }
0xa4: {  	_ =	swait.ge [sflag:s23], $0x1  }
0xa5: {  	[sflag:s23] =	ssyncset.done $0x0  }
0xa6: {  	s25 =	simm.s32 $0x1B8E;
	s24 =	sld [smem:$0x3FFE];
	[sflag:s23] =	ssyncadd.s32 $0xFFFFFFFF  }
0xa7: {  	s26 =	simm.s32 $execute0_lowered;
	[smem:$0x3FD2] =	sst s25  }
0xa8: {  	s7 =	sshll.u32 s26, $0x1;
	_ =	strace $0x80000046;
	[dreg:$0x1] =	wrdreg $0xFFFFFFFF  }
0xa9: {  	s28 =	simm.s32 $_size_execute0_lowered;
	s5 =	sadd.s32 s5, s7;
	[dreg:$0x0] =	wrdreg $0x0  }
0xaa: {  	s7 =	sshll.u32 s28, $0x1;
	[dreg:$0x2] =	wrdreg s5  }
0xab: {  	[dreg:$0x3] =	wrdreg s7  }
0xac: {  	[dreg:$0x4] =	wrdreg $0xC0  }
0xad: {  	_ =	task [dreg:s9], $0x5FFFF  }
0xae: {  	[dreg:$0x1] =	wrdreg $0xFFFFFFFF  }
0xaf: {  	[dreg:$0x0] =	wrdreg $0x60  }
0xb0: {  	[dreg:$0x2] =	wrdreg s2  }
0xb1: {  	[dreg:$0x3] =	wrdreg s18  }
0xb2: {  	[dreg:$0x4] =	wrdreg s24  }
0xb3: {  	[dreg:$0x5] =	wrdreg s4  }
0xb4: {  	[dreg:$0x6] =	wrdreg $0x0  }
0xb5: {  	[dreg:$0x7] =	wrdreg $0x9  }
0xb6: {  	_ =	task.clear_ibuf [dreg:s9], $0x8FFFF;
	_ =	strace $0x90000046  }
0xb7: {  	s29 =	simm.s32 $0x9;
	_ =	strace $0x80000048  }
0xb8: {  	_ =	swait.ge [sflag:s29], $0x1  }
0xb9: {  	[sflag:s29] =	ssyncadd.s32 $0xFFFFFFFF  }
0xba: {  	_ =	strace $0x90000048  }
0xbb: {  	_ =	sfence  }
0xbc: {  	s30 =	sld [smem:$0x0];
	_ =	sdelay $0x2  }
0xbd: {  	s31 =	sshll.u32 s1, $0xD;
	s1 =	sshrl.u32 s1, $0x2  }
0xbe: {  	s3 =	sand.u32 $0x4000, s31;
	s1 =	sadd.s32 s1, s30  }
0xbf: {  	s0 =	sor.u32 s3, s0;
	s1 =	sshll.u32 s1, $0x11  }
0xc0: {  	s0 =	sor.u32 s1, s0  }
0xc1: {  	s0 =	sadd.s32 $0x8F2B, s0  }
0xc2: {  	[sflag:s0] =	ssyncadd.remote.s32 $0x1  }
0xc3: {  	_ =	sfence.sel $0xFFFF  }
0xc4: {  	[dreg:$0x0] =	wrdreg $0xFFFFFFFF;
	(pc) =	sbr.abs _section_cstart, $3  }
0xc5: {  	[dreg:$0x1] =	wrdreg $0xFFFFFFFF  }
0xc6: {  	_ =	task.clear_ibuf [dreg:s9], $0x2FFFF;
	_ =	strace $0x9FFFFFFF  }
0xc7: {  	(tm) =	ssettm $0x7FFFFFFF  }
tec
execute0_lowered:
.L_overlay_start_1:
0x0: {  	(tag) =	ssettag $0x1  }
0x1: {  	s3 =	rddreg [dreg:$0x0]  }
0x2: {  	s5 =	rddreg [dreg:$0x1]  }
0x3: {  	s4 =	rddreg [dreg:$0x2]  }
0x4: {  	s6 =	rddreg [dreg:$0x3]  }
0x5: {  	s1 =	rddreg [dreg:$0x4]  }
0x6: {  	s0 =	rddreg [dreg:$0x5];
	s2 =	simm.s32 $0x0  }
0x7: {  	s7 =	srdreg.scid;
	s10 =	stileid.u32;
	s13 =	simm.s32 $0x1  }
0x8: {  	s14 =	simm.s32 $0x80;
	s15 =	simm.s32 $0x7C8;
	s16 =	simm.s32 $0x9C8  }
0x9: {  	s17 =	simm.s32 $0x848;
	s18 =	simm.s32 $0x49C8;
	s19 =	simm.s32 $0x8C8  }
0xa: {  	s20 =	simm.s32 $0x89C8;
	s21 =	simm.s32 $0x948;
	s22 =	simm.s32 $0xC9C8  }
0xb: {  	s23 =	simm.s32 $0x3;
	s24 =	simm.s32 $0x4;
	s25 =	simm.s32 $0x5  }
0xc: {  	s26 =	simm.s32 $0x6;
	s28 =	simm.s32 $0x2;
	[smem:$0x7FF] =	sst s2  }
0xd: {  	s4 =	sadd.s32 $0xA00, s4;
	s7 =	sand.u32 $0x1, s7;
	s8 =	sshll.u32 s10, $0xE  }
0xe: {  	s11 =	sshll.u32 s10, $0x7;
	p0 =	sne.s32 s10, $0x0;
	s10 =	simm.s32 $0x3C8  }
0xf: {  	_ =	strace $0x80000047;
	[dreg:$0x6] =	wrdreg s4;
	s30 =	ssub.s32 $0x2, s7  }
0x10: {  	s9 =	sshll.u32 s7, $0xD;
	s7 =	sshll.u32 s7, $0x6;
	s12 =	sshrl.u32 s30, $0x1  }
0x11: {  	s8 =	sor.u32 s9, s8;
	s7 =	sor.u32 s7, s11;
	s11 =	simm.s32 $0x5C8  }
0x12: {  	s31 =	ssub.s32 s30, s12;
	s3 =	sadd.s32 s3, s7;
	s4 =	sadd.s32 s6, s8  }
0x13: {  	s5 =	sadd.s32 s5, s7;
	s12 =	sshrl.u32 @!p0 s1, $0x3;
	s6 =	sadd.s32 $0x800, s4  }
0x14: {  	s7 =	sadd.s32 $0x1000, s4;
	s8 =	sadd.s32 $0x1800, s4;
	s9 =	smax.u32 s31, $0x1  }
.LBB2_1:
0x15: {  	[tilespmem:s10], [sflag:$0x1] =	stream.linear.gather [hbm4b:s3+s2], $0x200, $0x38;
	[tilespmem:$0x109C8] =	vst v63  }
0x16: {  	s29 =	rddreg [dreg:$0x6];
	s30 =	simm.s32 @!p0 $0x1C07  }
0x17: {  	[tilespmem:s11], [sflag:$0x1] =	stream.linear.gather [hbm4b:s5+s2], $0x200, $0x38;
	[tilespmem:$0x109C8] =	vst v63  }
0x18: {  	[spmem:s12], [sflag:s30] =	dma.local @!p0 [hbm:s29], $0x790  }
0x19: {  	s29 =	simm.s32 @!p0 $0x7  }
0x1a: {  	_ =	swait.ge @!p0 [sflag:s29], $0x790  }
0x1b: {  	[sflag:s29] =	ssyncset.done @!p0 $0x0  }
0x1c: {  	[sflag:s29] =	ssyncadd.s32 @!p0 $0xFFFFF870  }
0x1d: {  	_ =	swait.ge [sflag:s13], $0x200  }
0x1e: {  	[sflag:s13] =	ssyncset.done $0x0  }
0x1f: {  	[sflag:s13] =	ssyncadd.s32 $0xFFFFFE00  }
0x20: {  	_ =	swait.ge [sflag:s13], $0x200  }
0x21: {  	[sflag:s13] =	ssyncset.done $0x0  }
0x22: {  	[sflag:s13] =	ssyncadd.s32 $0xFFFFFE00  }
0x23: {  	v0 =	vld [tilespmem:$0x3C8]  }
0x24: {  	v1 =	vld [tilespmem:$0x5C8]  }
0x25: {  	v2 =	vld [tilespmem:$0x3D8]  }
0x26: {  	v3 =	vld [tilespmem:$0x5D8]  }
0x27: {  	v4 =	vld [tilespmem:$0x3E8]  }
0x28: {  	v5 =	vld [tilespmem:$0x5E8]  }
0x29: {  	v6 =	vld [tilespmem:$0x3F8]  }
0x2a: {  	v7 =	vld [tilespmem:$0x5F8]  }
0x2b: {  	v8 =	vld [tilespmem:$0x408]  }
0x2c: {  	v9 =	vld [tilespmem:$0x608]  }
0x2d: {  	v10 =	vld [tilespmem:$0x418]  }
0x2e: {  	v11 =	vld [tilespmem:$0x618]  }
0x2f: {  	v12 =	vld [tilespmem:$0x428]  }
0x30: {  	v13 =	vld [tilespmem:$0x628]  }
0x31: {  	v14 =	vld [tilespmem:$0x438]  }
0x32: {  	v15 =	vld [tilespmem:$0x638]  }
0x33: {  	v16 =	vld [tilespmem:$0x448]  }
0x34: {  	v17 =	vld [tilespmem:$0x648]  }
0x35: {  	v18 =	vld [tilespmem:$0x458]  }
0x36: {  	v19 =	vld [tilespmem:$0x658]  }
0x37: {  	v20 =	vld [tilespmem:$0x468]  }
0x38: {  	v21 =	vld [tilespmem:$0x668]  }
0x39: {  	v22 =	vld [tilespmem:$0x478]  }
0x3a: {  	v23 =	vld [tilespmem:$0x678]  }
0x3b: {  	v24 =	vld [tilespmem:$0x488]  }
0x3c: {  	v25 =	vld [tilespmem:$0x688]  }
0x3d: {  	v26 =	vld [tilespmem:$0x498]  }
0x3e: {  	v27 =	vld [tilespmem:$0x698]  }
0x3f: {  	v28 =	vld [tilespmem:$0x4A8]  }
0x40: {  	v29 =	vld [tilespmem:$0x6A8]  }
0x41: {  	v30 =	vld [tilespmem:$0x4B8]  }
0x42: {  	v31 =	vld [tilespmem:$0x6B8]  }
0x43: {  	v32 =	vld [tilespmem:$0x4C8]  }
0x44: {  	v33 =	vld [tilespmem:$0x6C8]  }
0x45: {  	v34 =	vld [tilespmem:$0x4D8]  }
0x46: {  	v35 =	vld [tilespmem:$0x6D8];
	v0 =	vmul.u32 $0xB, v0  }
0x47: {  	v36 =	vld [tilespmem:$0x4E8];
	v2 =	vmul.u32 $0xB, v2  }
0x48: {  	v38 =	vld [tilespmem:$0x718];
	v54 =	vmul.u32 $0xB, v4;
	v0 =	vadd.s32 v1, v0  }
0x49: {  	v41 =	vld [tilespmem:$0x528];
	v56 =	vmul.u32 $0xB, v6;
	v55 =	vadd.s32 v3, v2;
	[tilespmem:$0x7C8] =	vst v0  }
0x4a: {  	v44 =	vld [tilespmem:$0x728];
	v58 =	vmul.u32 $0xB, v8;
	v57 =	vadd.s32 v5, v54;
	[tilespmem:$0x7D8] =	vst v55  }
0x4b: {  	v47 =	vld [tilespmem:$0x538];
	v60 =	vmul.u32 $0xB, v10;
	v59 =	vadd.s32 v7, v56;
	[tilespmem:$0x7E8] =	vst v57  }
0x4c: {  	v50 =	vld [tilespmem:$0x738];
	v62 =	vmul.u32 $0xB, v12;
	v61 =	vadd.s32 v9, v58;
	[tilespmem:$0x7F8] =	vst v59  }
0x4d: {  	v53 =	vld [tilespmem:$0x548];
	v12 =	vmul.u32 $0xB, v14;
	v63 =	vadd.s32 v11, v60;
	[tilespmem:$0x808] =	vst v61  }
0x4e: {  	v4 =	vld [tilespmem:$0x6E8];
	v37 =	vmul.u32 $0xB, v16;
	v14 =	vadd.s32 v13, v62;
	[tilespmem:$0x818] =	vst v63  }
0x4f: {  	v6 =	vld [tilespmem:$0x508];
	v40 =	vmul.u32 $0xB, v18;
	v39 =	vadd.s32 v15, v12;
	[tilespmem:$0x828] =	vst v14  }
0x50: {  	v8 =	vld [tilespmem:$0x518];
	v43 =	vmul.u32 $0xB, v20;
	v42 =	vadd.s32 v17, v37;
	[tilespmem:$0x838] =	vst v39  }
0x51: {  	v46 =	vmul.u32 $0xB, v22;
	v22 =	vld [tilespmem:$0x568];
	v45 =	vadd.s32 v19, v40;
	[tilespmem:$0x848] =	vst v42  }
0x52: {  	v49 =	vmul.u32 $0xB, v24;
	v3 =	vld [tilespmem:$0x4F8];
	v48 =	vadd.s32 v21, v43;
	[tilespmem:$0x858] =	vst v45  }
0x53: {  	v24 =	vmul.u32 $0xB, v36;
	v36 =	vmul.u32 $0xB, v41;
	v5 =	vld [tilespmem:$0x6F8];
	v51 =	vadd.s32 v23, v46;
	[tilespmem:$0x868] =	vst v48  }
0x54: {  	v52 =	vmul.u32 $0xB, v26;
	v7 =	vld [tilespmem:$0x708];
	v54 =	vadd.s32 v25, v49;
	[tilespmem:$0x878] =	vst v51  }
0x55: {  	v56 =	vld [tilespmem:$0x748];
	v58 =	vmul.u32 $0xB, v30;
	v41 =	vadd.s32 v44, v36;
	[tilespmem:$0x888] =	vst v54  }
0x56: {  	v62 =	vld [tilespmem:$0x758];
	v21 =	vmul.u32 $0xB, v34;
	v57 =	vadd.s32 v27, v52;
	[tilespmem:$0x928] =	vst v41  }
0x57: {  	v25 =	vld [tilespmem:$0x768];
	v55 =	vmul.u32 $0xB, v28;
	[tilespmem:$0x898] =	vst v57;
	v63 =	vadd.s32 v31, v58  }
0x58: {  	v34 =	vld [tilespmem:$0x588];
	v61 =	vmul.u32 $0xB, v32;
	v26 =	vadd.s32 v35, v21;
	[tilespmem:$0x8B8] =	vst v63  }
0x59: {  	v37 =	vld [tilespmem:$0x788];
	v60 =	vadd.s32 v29, v55;
	[tilespmem:$0x8D8] =	vst v26  }
0x5a: {  	v40 =	vld [tilespmem:$0x598];
	v39 =	vmul.u32 $0xB, v47;
	v23 =	vadd.s32 v33, v61;
	[tilespmem:$0x8A8] =	vst v60  }
0x5b: {  	v43 =	vld [tilespmem:$0x798];
	v29 =	vadd.s32 v4, v24;
	v30 =	vmul.u32 $0xB, v6;
	[tilespmem:$0x8C8] =	vst v23  }
0x5c: {  	v46 =	vld [tilespmem:$0x5A8];
	v33 =	vmul.u32 $0xB, v8;
	v44 =	vadd.s32 v50, v39;
	[tilespmem:$0x8E8] =	vst v29  }
0x5d: {  	v59 =	vld [tilespmem:$0x558];
	v42 =	vmul.u32 $0xB, v53;
	[tilespmem:$0x938] =	vst v44;
	v35 =	vadd.s32 v7, v30  }
0x5e: {  	v28 =	vld [tilespmem:$0x578];
	v48 =	vmul.u32 $0xB, v22;
	v38 =	vadd.s32 v38, v33;
	[tilespmem:$0x908] =	vst v35  }
0x5f: {  	v49 =	vld [tilespmem:$0x5B8];
	v27 =	vmul.u32 $0xB, v3;
	v47 =	vadd.s32 v56, v42;
	[tilespmem:$0x918] =	vst v38  }
0x60: {  	v31 =	vld [tilespmem:$0x778];
	v53 =	vadd.s32 v25, v48;
	v54 =	vmul.u32 $0xB, v34;
	[tilespmem:$0x948] =	vst v47  }
0x61: {  	v52 =	vld [tilespmem:$0x7A8];
	v57 =	vmul.u32 $0xB, v40;
	[tilespmem:$0x968] =	vst v53;
	v32 =	vadd.s32 v5, v27  }
0x62: {  	v55 =	vld [tilespmem:$0x7B8];
	v45 =	vmul.u32 $0xB, v59;
	v58 =	vadd.s32 v37, v54;
	[tilespmem:$0x8F8] =	vst v32  }
0x63: {  	v51 =	vmul.u32 $0xB, v28;
	v60 =	vadd.s32 v43, v57;
	[tilespmem:$0x988] =	vst v58  }
0x64: {  	v59 =	vmul.u32 $0xB, v46;
	v50 =	vadd.s32 v62, v45;
	[tilespmem:$0x998] =	vst v60  }
0x65: {  	v61 =	vmul.u32 $0xB, v49;
	v56 =	vadd.s32 v31, v51;
	[tilespmem:$0x958] =	vst v50  }
0x66: {  	v62 =	vadd.s32 v52, v59;
	[tilespmem:$0x978] =	vst v56  }
0x67: {  	v63 =	vadd.s32 v55, v61;
	[tilespmem:$0x9A8] =	vst v62  }
0x68: {  	[tilespmem:$0x9B8] =	vst v63  }
0x69: {  	[bflag:$0x0] =	sbarrier.arrive $0xFFFF  }
0x6a: {  	[tilespmem:s16], [sflag:$0x3] =	stream.indirect.gather [spmem:s1], $0x80, s15, s14, $0xb8;
	[tilespmem:$0x109C8] =	vst v63  }
0x6b: {  	_ = 	snop  }
0x6c: {  	[tilespmem:s18], [sflag:$0x4] =	stream.indirect.gather [spmem:s1], $0x80, s17, s14, $0xb8;
	[tilespmem:$0x109C8] =	vst v63  }
0x6d: {  	_ = 	snop  }
0x6e: {  	[tilespmem:s20], [sflag:$0x5] =	stream.indirect.gather [spmem:s1], $0x80, s19, s14, $0xb8;
	[tilespmem:$0x109C8] =	vst v63  }
0x6f: {  	_ = 	snop  }
0x70: {  	[tilespmem:s22], [sflag:$0x6] =	stream.indirect.gather [spmem:s1], $0x80, s21, s14, $0xb8;
	[tilespmem:$0x109C8] =	vst v63  }
0x71: {  	_ =	swait.ge [sflag:s23], $0x4000  }
0x72: {  	[sflag:s23] =	ssyncset.done $0x0  }
0x73: {  	[sflag:s23] =	ssyncadd.s32 $0xFFFFC000  }
0x74: {  	[hbm4b:s4+s2] =	stream.linear.scatter [tilespmem:s16], [sflag:$0x2], $0x4000, $0x38;
	[tilespmem:$0x109C8] =	vst v63  }
0x75: {  	_ =	swait.ge [sflag:s24], $0x4000  }
0x76: {  	[sflag:s24] =	ssyncset.done $0x0  }
0x77: {  	[sflag:s24] =	ssyncadd.s32 $0xFFFFC000  }
0x78: {  	[hbm4b:s6+s2] =	stream.linear.scatter [tilespmem:s18], [sflag:$0x2], $0x4000, $0x38;
	[tilespmem:$0x109C8] =	vst v63  }
0x79: {  	_ =	swait.ge [sflag:s25], $0x4000  }
0x7a: {  	[sflag:s25] =	ssyncset.done $0x0  }
0x7b: {  	[sflag:s25] =	ssyncadd.s32 $0xFFFFC000  }
0x7c: {  	[hbm4b:s7+s2] =	stream.linear.scatter [tilespmem:s20], [sflag:$0x2], $0x4000, $0x38;
	[tilespmem:$0x109C8] =	vst v63  }
0x7d: {  	_ =	swait.ge [sflag:s26], $0x4000  }
0x7e: {  	[sflag:s26] =	ssyncset.done $0x0  }
0x7f: {  	[sflag:s26] =	ssyncadd.s32 $0xFFFFC000  }
0x80: {  	[hbm4b:s8+s2] =	stream.linear.scatter [tilespmem:s22], [sflag:$0x2], $0x4000, $0x38;
	[tilespmem:$0x109C8] =	vst v63  }
0x81: {  	_ =	swait.ge [sflag:s28], $0x4000  }
0x82: {  	[sflag:s28] =	ssyncset.done $0x0  }
0x83: {  	[sflag:s28] =	ssyncadd.s32 $0xFFFFC000  }
0x84: {  	_ =	swait.ge [sflag:s28], $0x4000  }
0x85: {  	[sflag:s28] =	ssyncset.done $0x0  }
0x86: {  	s9 =	sadd.s32 $0xFFFFFFFF, s9;
	[sflag:s28] =	ssyncadd.s32 $0xFFFFC000  }
0x87: {  	p1 =	sne.s32 s9, $0x0;
	_ =	swait.ge [sflag:s28], $0x4000  }
.Ltmp0:
0x88: {  	[sflag:s28] =	ssyncset.done $0x0;
	(pc) =	sbr.rel @p1 .LBB2_1-.Ltmp0, $4  }
0x89: {  	[sflag:s28] =	ssyncadd.s32 $0xFFFFC000  }
0x8a: {  	_ =	swait.ge [sflag:s28], $0x4000  }
0x8b: {  	[sflag:s28] =	ssyncset.done $0x0  }
0x8c: {  	[sflag:s28] =	ssyncadd.s32 $0xFFFFC000  }
0x8d: {  	_ =	sfence.sel $0x180000  }
0x8e: {  	[bflag:$0x0] =	sbarrier.arrive $0xFFFF  }
0x8f: {  	_ =	strace $0x90000047  }
0x90: {  	s0 =	sadd.s32 @!p0 $0x100000, s0;
	[bflag:$0x2] =	sbarrier.arrive $0xFFFF  }
0x91: {  	[sflag:s0] =	ssyncadd.tile.s32 @!p0 $0x1;
	_ =	shalt  }
.Lfunc_end2:
_tile_overlayer_lowered:
.L_overlay_start_2:
0x92: {  	(tag) =	ssettag $0x2  }
0x93: {  	s0 =	rddreg [dreg:$0x0];
	s2 =	stileid.u32  }
0x94: {  	s1 =	rddreg [dreg:$0x1];
	p0 =	sne.s32 s2, $0x0  }
0x95: {  	s3 =	rddreg [dreg:$0x2];
	[bflag:$0x3] =	sbarrier.arrive $0xFFFF;
	s2 =	simm.s32 @!p0 $0x1C07  }
0x96: {  	[timem:s3], [sflag:s2] =	dma.local @!p0 [hbm:s0], s1  }
0x97: {  	s0 =	simm.s32 @!p0 $0x7  }
0x98: {  	_ =	swait.ge @!p0 [sflag:s0], s1  }
0x99: {  	s1 =	ssub.s32 @!p0 $0x0, s1;
	[sflag:s0] =	ssyncset.done @!p0 $0x0  }
0x9a: {  	[sflag:s0] =	ssyncadd.s32 @!p0 s1  }
0x9b: {  	[bflag:$0x3] =	sbarrier.arrive $0xFFFF  }
0x9c: {  	_ =	shalt  }

</sc_bundles>
